<compile_context>
chip_gen: v7x
topology: tpu7x:2x2x1
jax: 0.10.2.dev20260603
libtpu: 0.0.44.dev20260713+nightly
codegen_flags: <defaults>
</compile_context>

<pallas_src>
import functools

import jax
import jax.numpy as jnp
from jax import lax
from jax.experimental import pallas as pl
from jax.experimental.pallas import tpu as pltpu
from jax.experimental.pallas import tpu_sc as plsc

NUM_SPACE = 256
MAX_TIME = 16
EMBED_DIM = 768

NC = 2
NS = 16
NW = NC * NS

BATCH = 4
NUM_PATCHES = 4096
ROWS_PER_W = NUM_PATCHES // NW
LANES = 16
COLS = EMBED_DIM // LANES


CHUNK = 32
NCHUNK = ROWS_PER_W // CHUNK


STRIPE = ROWS_PER_W // NS


def _sc_body(space_hbm, time_hbm, out_hbm, block_v, time_v, space_sh, rsem, wsem):
    c = lax.axis_index("c")
    s = lax.axis_index("s")
    wid = s * NC + c
    row0 = wid * ROWS_PER_W
    t_idx = wid // (NUM_SPACE // ROWS_PER_W)
    s_off = (wid % (NUM_SPACE // ROWS_PER_W)) * ROWS_PER_W

    tread = pltpu.async_copy(time_hbm.at[pl.ds(t_idx, 1)], time_v, rsem)
    stripe = pltpu.async_copy(
        space_hbm.at[pl.ds(s_off + s * STRIPE, STRIPE)],
        block_v.at[pl.ds(0, STRIPE)],
        rsem,
    )
    stripe.wait()
    pltpu.sync_copy(block_v.at[pl.ds(0, STRIPE)], space_sh.at[pl.ds(s * STRIPE, STRIPE)])
    plsc.subcore_barrier()
    reads = [
        pltpu.async_copy(
            space_sh.at[pl.ds(ch * CHUNK, CHUNK)],
            block_v.at[pl.ds(ch * CHUNK, CHUNK)],
            rsem,
        )
        for ch in range(NCHUNK)
    ]
    tread.wait()

    def row_body(r, carry):
        def col_body(col, cc):
            sl = pl.ds(col * LANES, LANES)
            block_v[r, sl] = block_v[r, sl] + time_v[0, sl]
            return cc
        return lax.fori_loop(0, COLS, col_body, carry, unroll=8)

    handles = []
    for ch in range(NCHUNK):
        reads[ch].wait()
        lax.fori_loop(ch * CHUNK, (ch + 1) * CHUNK, row_body, 0)
        src = block_v.at[pl.ds(ch * CHUNK, CHUNK)]
        for b in range(BATCH):
            handles.append(
                pltpu.async_copy(
                    src, out_hbm.at[b, pl.ds(row0 + ch * CHUNK, CHUNK)], wsem
                )
            )
    for h in handles:
        h.wait()


def kernel(x, space_embedding, time_embedding):
    batch, num_patches, dim = x.shape
    mesh = plsc.VectorSubcoreMesh(core_axis_name="c", subcore_axis_name="s")
    run = functools.partial(
        pl.kernel,
        mesh=mesh,
        out_type=jax.ShapeDtypeStruct((batch, num_patches, dim), jnp.float32),
        scratch_types=[
            pltpu.VMEM((ROWS_PER_W, EMBED_DIM), jnp.float32),
            pltpu.VMEM((1, EMBED_DIM), jnp.float32),
            pltpu.VMEM_SHARED((ROWS_PER_W, EMBED_DIM), jnp.float32),
            pltpu.SemaphoreType.DMA,
            pltpu.SemaphoreType.DMA,
        ],
    )(_sc_body)
    return run(space_embedding, time_embedding)

# --- scband reference (transcript-rebuilt; emitter-appended) ---
"""Pipeline reference for scband-hybrid-spatiotemporal-pos-emb-50208167690728 (READ-ONLY COPY).

The authoritative reference and input builder live on the scoring server;
editing this copy changes nothing except your own understanding.
"""

import jax, jax.numpy as jnp
import numpy as np
import math

NUM_SPACE = 256
MAX_TIME = 16
EMBED_DIM = 768


def _build_sin_cos_embedding(length, dim):
    position = jnp.arange(1, length + 1, dtype=jnp.float32)[:, None]
    div_term = jnp.exp(jnp.arange(0, dim, 2, dtype=jnp.float32) * (-math.log(10000.0) / dim))
    angles = position * div_term[None, :]
    sin = jnp.sin(angles)
    cos = jnp.cos(angles)
    # interleave: even indices sin, odd indices cos
    sinusoid = jnp.stack([sin, cos], axis=-1).reshape(length, dim)
    return sinusoid.astype(jnp.float32)


def setup_inputs(seed: int = 0) -> dict:
    key = jax.random.key(seed)
    k1, k2 = jax.random.split(key)
    x = jax.random.normal(k1, (4, 4096, 768), dtype=jnp.float32)
    space_embedding = jax.random.normal(k2, (NUM_SPACE, EMBED_DIM), dtype=jnp.float32)
    time_embedding = _build_sin_cos_embedding(MAX_TIME, EMBED_DIM)
    return {"x": x, "space_embedding": space_embedding, "time_embedding": time_embedding}


def reference(x, space_embedding, time_embedding):
    batch_size, num_patches, _ = x.shape
    spatial_idx = jnp.arange(num_patches) % NUM_SPACE
    temporal_idx = jnp.arange(num_patches) // NUM_SPACE
    pos_space_embedding = jnp.take(space_embedding, spatial_idx, axis=0)
    pos_time_embedding = jnp.take(time_embedding, temporal_idx, axis=0)
    pos_embedding = pos_space_embedding + pos_time_embedding
    pos_embedding = jnp.broadcast_to(pos_embedding[None, :, :], (batch_size, num_patches, EMBED_DIM))
    return pos_embedding

if __name__ == "__main__":
    import jax
    _d = setup_inputs()
    print(jax.jit(kernel)(*tuple(_d.values())))

</pallas_src>

<mosaic_0001>
#map = affine_map<(d0, d1) -> (0, 0)>
#map1 = affine_map<(d0, d1) -> (0, 0, 0)>
module attributes {stable_mosaic.version = 14 : i64} {
  func.func @_sc_body(%arg0: i32, %arg1: i32, %arg2: memref<256x768xf32, #tpu.memory_space<hbm>>, %arg3: memref<16x768xf32, #tpu.memory_space<hbm>>, %arg4: memref<4x4096x768xf32, #tpu.memory_space<hbm>>, %arg5: memref<128x768xf32, #tpu.memory_space<vmem>>, %arg6: memref<1x768xf32, #tpu.memory_space<vmem>>, %arg7: memref<128x768xf32, #tpu.memory_space<vmem_shared>>, %arg8: memref<!tpu.dma_semaphore, #tpu.memory_space<semaphore_mem>>, %arg9: memref<!tpu.dma_semaphore, #tpu.memory_space<semaphore_mem>>) attributes {dimension_semantics = [#tpu.dimension_semantics<core_parallel>, #tpu.dimension_semantics<subcore_parallel>], iteration_bounds = array<i64: 2, 16>, scalar_prefetch = 0 : i64, scratch_operands = 5 : i64, tpu.core_type = #tpu.core_type<sc_vector_subcore>, window_params = [{transform_indices = #map}, {transform_indices = #map}, {transform_indices = #map1}]} {
    %mul3A = arith.constant 2 : i32
    %mul3A_0 = arith.muli %arg1, %mul3A : i32
    %add3A = arith.addi %mul3A_0, %arg0 : i32
    %mul3A_1 = arith.constant 128 : i32
    %mul3A_2 = arith.muli %add3A, %mul3A_1 : i32
    %jit3A = arith.constant 2 : i32
    %div3A = arith.divsi %add3A, %jit3A : i32
    %sign3A = arith.constant 0 : i32
    %sign3A_3 = arith.cmpi sgt, %add3A, %sign3A : i32
    %sign3A_4 = arith.extui %sign3A_3 : i1 to i32
    %sign3A_5 = arith.constant 0 : i32
    %sign3A_6 = arith.cmpi slt, %add3A, %sign3A_5 : i32
    %sign3A_7 = arith.extui %sign3A_6 : i1 to i32
    %sign3A_8 = arith.subi %sign3A_4, %sign3A_7 : i32
    %sign3A_9 = arith.constant 0 : i32
    %sign3A_10 = arith.cmpi sgt, %jit3A, %sign3A_9 : i32
    %sign3A_11 = arith.extui %sign3A_10 : i1 to i32
    %sign3A_12 = arith.constant 0 : i32
    %sign3A_13 = arith.cmpi slt, %jit3A, %sign3A_12 : i32
    %sign3A_14 = arith.extui %sign3A_13 : i1 to i32
    %sign3A_15 = arith.subi %sign3A_11, %sign3A_14 : i32
    %ne3A = arith.cmpi ne, %sign3A_8, %sign3A_15 : i32
    %rem3A = arith.remsi %add3A, %jit3A : i32
    %ne3A_16 = arith.constant 0 : i32
    %ne3A_17 = arith.cmpi ne, %rem3A, %ne3A_16 : i32
    %and3A = arith.andi %ne3A, %ne3A_17 : i1
    %sub3A = arith.constant 1 : i32
    %sub3A_18 = arith.subi %div3A, %sub3A : i32
    %select_n3A = arith.select %and3A, %sub3A_18, %div3A : i32
    %jit3A_19 = arith.constant 2 : i32
    %eq3A = arith.constant 0 : i32
    %eq3A_20 = arith.cmpi eq, %jit3A_19, %eq3A : i32
    %jit3A_21 = arith.constant 1 : i32
    %select_n3A_22 = arith.select %eq3A_20, %jit3A_21, %jit3A_19 : i32
    %rem3A_23 = arith.remsi %add3A, %select_n3A_22 : i32
    %ne3A_24 = arith.constant 0 : i32
    %ne3A_25 = arith.cmpi ne, %rem3A_23, %ne3A_24 : i32
    %lt3A = arith.constant 0 : i32
    %lt3A_26 = arith.cmpi slt, %rem3A_23, %lt3A : i32
    %lt3A_27 = arith.constant 0 : i32
    %lt3A_28 = arith.cmpi slt, %select_n3A_22, %lt3A_27 : i32
    %ne3A_29 = arith.xori %lt3A_26, %lt3A_28 : i1
    %and3A_30 = arith.andi %ne3A_29, %ne3A_25 : i1
    %add3A_31 = arith.addi %rem3A_23, %select_n3A_22 : i32
    %select_n3A_32 = arith.select %and3A_30, %add3A_31, %rem3A_23 : i32
    %mul3A_33 = arith.constant 128 : i32
    %mul3A_34 = arith.muli %select_n3A_32, %mul3A_33 : i32
    %dma_start3A = arith.constant 0 : i32
    %dma_start3A_35 = tpu.memref_slice %arg3[%select_n3A, %dma_start3A] : memref<16x768xf32, #tpu.memory_space<hbm>> -> memref<1x768xf32, #tpu.memory_space<hbm>>
    %dma_start3A_36 = arith.constant 0 : i32
    %dma_start3A_37 = tpu.memref_slice %arg3[%select_n3A, %dma_start3A_36] : memref<16x768xf32, #tpu.memory_space<hbm>> -> memref<1x768xf32, #tpu.memory_space<hbm>>
    tpu.enqueue_dma source(%dma_start3A_37 : memref<1x768xf32, #tpu.memory_space<hbm>>) target(%arg6 : memref<1x768xf32, #tpu.memory_space<vmem>>) target_semaphore(%arg8 : memref<!tpu.dma_semaphore, #tpu.memory_space<semaphore_mem>>)
    %mul3A_38 = arith.constant 8 : i32
    %mul3A_39 = arith.muli %arg1, %mul3A_38 : i32
    %add3A_40 = arith.addi %mul3A_34, %mul3A_39 : i32
    %dma_start3A_41 = arith.constant 0 : i32
    %dma_start3A_42 = arith.constant 0 : i32
    %dma_start3A_43 = tpu.memref_slice %arg5[%dma_start3A_41, %dma_start3A_42] : memref<128x768xf32, #tpu.memory_space<vmem>> -> memref<8x768xf32, #tpu.memory_space<vmem>>
    %dma_start3A_44 = arith.constant 0 : i32
    %dma_start3A_45 = tpu.memref_slice %arg2[%add3A_40, %dma_start3A_44] : memref<256x768xf32, #tpu.memory_space<hbm>> -> memref<8x768xf32, #tpu.memory_space<hbm>>
    %dma_start3A_46 = arith.constant 0 : i32
    %dma_start3A_47 = arith.constant 0 : i32
    %dma_start3A_48 = tpu.memref_slice %arg5[%dma_start3A_46, %dma_start3A_47] : memref<128x768xf32, #tpu.memory_space<vmem>> -> memref<8x768xf32, #tpu.memory_space<vmem>>
    %dma_start3A_49 = arith.constant 0 : i32
    %dma_start3A_50 = tpu.memref_slice %arg2[%add3A_40, %dma_start3A_49] : memref<256x768xf32, #tpu.memory_space<hbm>> -> memref<8x768xf32, #tpu.memory_space<hbm>>
    tpu.enqueue_dma source(%dma_start3A_50 : memref<8x768xf32, #tpu.memory_space<hbm>>) target(%dma_start3A_48 : memref<8x768xf32, #tpu.memory_space<vmem>>) target_semaphore(%arg8 : memref<!tpu.dma_semaphore, #tpu.memory_space<semaphore_mem>>)
    %dma_wait3A = arith.constant 0 : i32
    %dma_wait3A_51 = arith.constant 0 : i32
    %dma_wait3A_52 = tpu.memref_slice %arg5[%dma_wait3A, %dma_wait3A_51] : memref<128x768xf32, #tpu.memory_space<vmem>> -> memref<8x768xf32, #tpu.memory_space<vmem>>
    %dma_wait3A_53 = arith.constant 0 : i32
    %dma_wait3A_54 = tpu.memref_slice %arg2[%add3A_40, %dma_wait3A_53] : memref<256x768xf32, #tpu.memory_space<hbm>> -> memref<8x768xf32, #tpu.memory_space<hbm>>
    %dma_wait3A_55 = arith.constant 0 : i32
    %dma_wait3A_56 = arith.constant 0 : i32
    %dma_wait3A_57 = tpu.memref_slice %arg5[%dma_wait3A_55, %dma_wait3A_56] : memref<128x768xf32, #tpu.memory_space<vmem>> -> memref<8x768xf32, #tpu.memory_space<vmem>>
    %dma_wait3A_58 = arith.constant 0 : i32
    %dma_wait3A_59 = tpu.memref_slice %arg2[%add3A_40, %dma_wait3A_58] : memref<256x768xf32, #tpu.memory_space<hbm>> -> memref<8x768xf32, #tpu.memory_space<hbm>>
    tpu.wait_dma2 semaphore(%arg8 : memref<!tpu.dma_semaphore, #tpu.memory_space<semaphore_mem>>) src(%dma_wait3A_59 : memref<8x768xf32, #tpu.memory_space<hbm>>) dst(%dma_wait3A_57 : memref<8x768xf32, #tpu.memory_space<vmem>>)
    %mul3A_60 = arith.constant 8 : i32
    %mul3A_61 = arith.muli %arg1, %mul3A_60 : i32
    "tpu.region"() ({
      %run_scoped3A = tpu.sem_alloc : memref<!tpu.dma_semaphore, #tpu.memory_space<semaphore_mem>>
      %dma_start3A_633 = arith.constant 0 : i32
      %dma_start3A_634 = arith.constant 0 : i32
      %dma_start3A_635 = tpu.memref_slice %arg5[%dma_start3A_633, %dma_start3A_634] : memref<128x768xf32, #tpu.memory_space<vmem>> -> memref<8x768xf32, #tpu.memory_space<vmem>>
      %dma_start3A_636 = arith.constant 0 : i32
      %dma_start3A_637 = tpu.memref_slice %arg7[%mul3A_61, %dma_start3A_636] : memref<128x768xf32, #tpu.memory_space<vmem_shared>> -> memref<8x768xf32, #tpu.memory_space<vmem_shared>>
      %dma_start3A_638 = arith.constant 0 : i32
      %dma_start3A_639 = tpu.memref_slice %arg7[%mul3A_61, %dma_start3A_638] : memref<128x768xf32, #tpu.memory_space<vmem_shared>> -> memref<8x768xf32, #tpu.memory_space<vmem_shared>>
      %dma_start3A_640 = arith.constant 0 : i32
      %dma_start3A_641 = arith.constant 0 : i32
      %dma_start3A_642 = tpu.memref_slice %arg5[%dma_start3A_640, %dma_start3A_641] : memref<128x768xf32, #tpu.memory_space<vmem>> -> memref<8x768xf32, #tpu.memory_space<vmem>>
      tpu.enqueue_dma source(%dma_start3A_642 : memref<8x768xf32, #tpu.memory_space<vmem>>) target(%dma_start3A_639 : memref<8x768xf32, #tpu.memory_space<vmem_shared>>) target_semaphore(%run_scoped3A : memref<!tpu.dma_semaphore, #tpu.memory_space<semaphore_mem>>)
      %dma_wait3A_643 = arith.constant 0 : i32
      %dma_wait3A_644 = arith.constant 0 : i32
      %dma_wait3A_645 = tpu.memref_slice %arg5[%dma_wait3A_643, %dma_wait3A_644] : memref<128x768xf32, #tpu.memory_space<vmem>> -> memref<8x768xf32, #tpu.memory_space<vmem>>
      %dma_wait3A_646 = arith.constant 0 : i32
      %dma_wait3A_647 = tpu.memref_slice %arg7[%mul3A_61, %dma_wait3A_646] : memref<128x768xf32, #tpu.memory_space<vmem_shared>> -> memref<8x768xf32, #tpu.memory_space<vmem_shared>>
      %dma_wait3A_648 = arith.constant 0 : i32
      %dma_wait3A_649 = tpu.memref_slice %arg7[%mul3A_61, %dma_wait3A_648] : memref<128x768xf32, #tpu.memory_space<vmem_shared>> -> memref<8x768xf32, #tpu.memory_space<vmem_shared>>
      %dma_wait3A_650 = arith.constant 0 : i32
      %dma_wait3A_651 = arith.constant 0 : i32
      %dma_wait3A_652 = tpu.memref_slice %arg5[%dma_wait3A_650, %dma_wait3A_651] : memref<128x768xf32, #tpu.memory_space<vmem>> -> memref<8x768xf32, #tpu.memory_space<vmem>>
      tpu.wait_dma2 semaphore(%run_scoped3A : memref<!tpu.dma_semaphore, #tpu.memory_space<semaphore_mem>>) src(%dma_wait3A_652 : memref<8x768xf32, #tpu.memory_space<vmem>>) dst(%dma_wait3A_649 : memref<8x768xf32, #tpu.memory_space<vmem_shared>>)
      tpu.yield
    }) : () -> ()
    %barrier3A = arith.constant 0 : index
    tpu.barrier barrier_id(%barrier3A)
    %dma_start3A_62 = arith.constant 0 : i32
    %dma_start3A_63 = arith.constant 0 : i32
    %dma_start3A_64 = tpu.memref_slice %arg5[%dma_start3A_62, %dma_start3A_63] : memref<128x768xf32, #tpu.memory_space<vmem>> -> memref<32x768xf32, #tpu.memory_space<vmem>>
    %dma_start3A_65 = arith.constant 0 : i32
    %dma_start3A_66 = arith.constant 0 : i32
    %dma_start3A_67 = tpu.memref_slice %arg7[%dma_start3A_65, %dma_start3A_66] : memref<128x768xf32, #tpu.memory_space<vmem_shared>> -> memref<32x768xf32, #tpu.memory_space<vmem_shared>>
    %dma_start3A_68 = arith.constant 0 : i32
    %dma_start3A_69 = arith.constant 0 : i32
    %dma_start3A_70 = tpu.memref_slice %arg5[%dma_start3A_68, %dma_start3A_69] : memref<128x768xf32, #tpu.memory_space<vmem>> -> memref<32x768xf32, #tpu.memory_space<vmem>>
    %dma_start3A_71 = arith.constant 0 : i32
    %dma_start3A_72 = arith.constant 0 : i32
    %dma_start3A_73 = tpu.memref_slice %arg7[%dma_start3A_71, %dma_start3A_72] : memref<128x768xf32, #tpu.memory_space<vmem_shared>> -> memref<32x768xf32, #tpu.memory_space<vmem_shared>>
    tpu.enqueue_dma source(%dma_start3A_73 : memref<32x768xf32, #tpu.memory_space<vmem_shared>>) target(%dma_start3A_70 : memref<32x768xf32, #tpu.memory_space<vmem>>) target_semaphore(%arg8 : memref<!tpu.dma_semaphore, #tpu.memory_space<semaphore_mem>>)
    %dma_start3A_74 = arith.constant 32 : i32
    %dma_start3A_75 = arith.constant 0 : i32
    %dma_start3A_76 = tpu.memref_slice %arg5[%dma_start3A_74, %dma_start3A_75] : memref<128x768xf32, #tpu.memory_space<vmem>> -> memref<32x768xf32, #tpu.memory_space<vmem>>
    %dma_start3A_77 = arith.constant 32 : i32
    %dma_start3A_78 = arith.constant 0 : i32
    %dma_start3A_79 = tpu.memref_slice %arg7[%dma_start3A_77, %dma_start3A_78] : memref<128x768xf32, #tpu.memory_space<vmem_shared>> -> memref<32x768xf32, #tpu.memory_space<vmem_shared>>
    %dma_start3A_80 = arith.constant 32 : i32
    %dma_start3A_81 = arith.constant 0 : i32
    %dma_start3A_82 = tpu.memref_slice %arg5[%dma_start3A_80, %dma_start3A_81] : memref<128x768xf32, #tpu.memory_space<vmem>> -> memref<32x768xf32, #tpu.memory_space<vmem>>
    %dma_start3A_83 = arith.constant 32 : i32
    %dma_start3A_84 = arith.constant 0 : i32
    %dma_start3A_85 = tpu.memref_slice %arg7[%dma_start3A_83, %dma_start3A_84] : memref<128x768xf32, #tpu.memory_space<vmem_shared>> -> memref<32x768xf32, #tpu.memory_space<vmem_shared>>
    tpu.enqueue_dma source(%dma_start3A_85 : memref<32x768xf32, #tpu.memory_space<vmem_shared>>) target(%dma_start3A_82 : memref<32x768xf32, #tpu.memory_space<vmem>>) target_semaphore(%arg8 : memref<!tpu.dma_semaphore, #tpu.memory_space<semaphore_mem>>)
    %dma_start3A_86 = arith.constant 64 : i32
    %dma_start3A_87 = arith.constant 0 : i32
    %dma_start3A_88 = tpu.memref_slice %arg5[%dma_start3A_86, %dma_start3A_87] : memref<128x768xf32, #tpu.memory_space<vmem>> -> memref<32x768xf32, #tpu.memory_space<vmem>>
    %dma_start3A_89 = arith.constant 64 : i32
    %dma_start3A_90 = arith.constant 0 : i32
    %dma_start3A_91 = tpu.memref_slice %arg7[%dma_start3A_89, %dma_start3A_90] : memref<128x768xf32, #tpu.memory_space<vmem_shared>> -> memref<32x768xf32, #tpu.memory_space<vmem_shared>>
    %dma_start3A_92 = arith.constant 64 : i32
    %dma_start3A_93 = arith.constant 0 : i32
    %dma_start3A_94 = tpu.memref_slice %arg5[%dma_start3A_92, %dma_start3A_93] : memref<128x768xf32, #tpu.memory_space<vmem>> -> memref<32x768xf32, #tpu.memory_space<vmem>>
    %dma_start3A_95 = arith.constant 64 : i32
    %dma_start3A_96 = arith.constant 0 : i32
    %dma_start3A_97 = tpu.memref_slice %arg7[%dma_start3A_95, %dma_start3A_96] : memref<128x768xf32, #tpu.memory_space<vmem_shared>> -> memref<32x768xf32, #tpu.memory_space<vmem_shared>>
    tpu.enqueue_dma source(%dma_start3A_97 : memref<32x768xf32, #tpu.memory_space<vmem_shared>>) target(%dma_start3A_94 : memref<32x768xf32, #tpu.memory_space<vmem>>) target_semaphore(%arg8 : memref<!tpu.dma_semaphore, #tpu.memory_space<semaphore_mem>>)
    %dma_start3A_98 = arith.constant 96 : i32
    %dma_start3A_99 = arith.constant 0 : i32
    %dma_start3A_100 = tpu.memref_slice %arg5[%dma_start3A_98, %dma_start3A_99] : memref<128x768xf32, #tpu.memory_space<vmem>> -> memref<32x768xf32, #tpu.memory_space<vmem>>
    %dma_start3A_101 = arith.constant 96 : i32
    %dma_start3A_102 = arith.constant 0 : i32
    %dma_start3A_103 = tpu.memref_slice %arg7[%dma_start3A_101, %dma_start3A_102] : memref<128x768xf32, #tpu.memory_space<vmem_shared>> -> memref<32x768xf32, #tpu.memory_space<vmem_shared>>
    %dma_start3A_104 = arith.constant 96 : i32
    %dma_start3A_105 = arith.constant 0 : i32
    %dma_start3A_106 = tpu.memref_slice %arg5[%dma_start3A_104, %dma_start3A_105] : memref<128x768xf32, #tpu.memory_space<vmem>> -> memref<32x768xf32, #tpu.memory_space<vmem>>
    %dma_start3A_107 = arith.constant 96 : i32
    %dma_start3A_108 = arith.constant 0 : i32
    %dma_start3A_109 = tpu.memref_slice %arg7[%dma_start3A_107, %dma_start3A_108] : memref<128x768xf32, #tpu.memory_space<vmem_shared>> -> memref<32x768xf32, #tpu.memory_space<vmem_shared>>
    tpu.enqueue_dma source(%dma_start3A_109 : memref<32x768xf32, #tpu.memory_space<vmem_shared>>) target(%dma_start3A_106 : memref<32x768xf32, #tpu.memory_space<vmem>>) target_semaphore(%arg8 : memref<!tpu.dma_semaphore, #tpu.memory_space<semaphore_mem>>)
    %dma_wait3A_110 = arith.constant 0 : i32
    %dma_wait3A_111 = tpu.memref_slice %arg3[%select_n3A, %dma_wait3A_110] : memref<16x768xf32, #tpu.memory_space<hbm>> -> memref<1x768xf32, #tpu.memory_space<hbm>>
    %dma_wait3A_112 = arith.constant 0 : i32
    %dma_wait3A_113 = tpu.memref_slice %arg3[%select_n3A, %dma_wait3A_112] : memref<16x768xf32, #tpu.memory_space<hbm>> -> memref<1x768xf32, #tpu.memory_space<hbm>>
    tpu.wait_dma2 semaphore(%arg8 : memref<!tpu.dma_semaphore, #tpu.memory_space<semaphore_mem>>) src(%dma_wait3A_113 : memref<1x768xf32, #tpu.memory_space<hbm>>) dst(%arg6 : memref<1x768xf32, #tpu.memory_space<vmem>>)
    %dma_wait3A_114 = arith.constant 0 : i32
    %dma_wait3A_115 = arith.constant 0 : i32
    %dma_wait3A_116 = tpu.memref_slice %arg5[%dma_wait3A_114, %dma_wait3A_115] : memref<128x768xf32, #tpu.memory_space<vmem>> -> memref<32x768xf32, #tpu.memory_space<vmem>>
    %dma_wait3A_117 = arith.constant 0 : i32
    %dma_wait3A_118 = arith.constant 0 : i32
    %dma_wait3A_119 = tpu.memref_slice %arg7[%dma_wait3A_117, %dma_wait3A_118] : memref<128x768xf32, #tpu.memory_space<vmem_shared>> -> memref<32x768xf32, #tpu.memory_space<vmem_shared>>
    %dma_wait3A_120 = arith.constant 0 : i32
    %dma_wait3A_121 = arith.constant 0 : i32
    %dma_wait3A_122 = tpu.memref_slice %arg5[%dma_wait3A_120, %dma_wait3A_121] : memref<128x768xf32, #tpu.memory_space<vmem>> -> memref<32x768xf32, #tpu.memory_space<vmem>>
    %dma_wait3A_123 = arith.constant 0 : i32
    %dma_wait3A_124 = arith.constant 0 : i32
    %dma_wait3A_125 = tpu.memref_slice %arg7[%dma_wait3A_123, %dma_wait3A_124] : memref<128x768xf32, #tpu.memory_space<vmem_shared>> -> memref<32x768xf32, #tpu.memory_space<vmem_shared>>
    tpu.wait_dma2 semaphore(%arg8 : memref<!tpu.dma_semaphore, #tpu.memory_space<semaphore_mem>>) src(%dma_wait3A_125 : memref<32x768xf32, #tpu.memory_space<vmem_shared>>) dst(%dma_wait3A_122 : memref<32x768xf32, #tpu.memory_space<vmem>>)
    %scan3A = arith.constant 0 : i32
    %scan3A_126 = arith.constant 0 : i32
    %scan3A_127 = arith.constant 32 : i32
    %scan3A_128 = arith.addi %scan3A_126, %scan3A_127 : i32
    %scan3A_129 = arith.constant 1 : i32
    scf.for %scan3A_633 = %scan3A_126 to %scan3A_128 step %scan3A_129  : i32 {
      %scan3A_634 = arith.constant 0 : i32
      %scan3A_635 = arith.constant 48 : i32
      %scan3A_636 = arith.addi %scan3A_634, %scan3A_635 : i32
      %scan3A_637 = arith.constant 8 : i32
      scf.for %scan3A_639 = %scan3A_634 to %scan3A_636 step %scan3A_637  : i32 {
        %mul3A_640 = arith.constant 16 : i32
        %mul3A_641 = arith.muli %scan3A_639, %mul3A_640 : i32
        %get3A = arith.index_cast %scan3A_633 : i32 to index
        %get3A_642 = arith.index_cast %mul3A_641 : i32 to index
        %get3A_643 = tpu.vector_load %arg5[%get3A, %get3A_642] {strides = array<i32>} : memref<128x768xf32, #tpu.memory_space<vmem>>, vector<1x16xf32>,
        %get3A_644 = vector.shape_cast %get3A_643 : vector<1x16xf32> to vector<16xf32>
        %get3A_645 = arith.constant 0 : i32
        %get3A_646 = arith.index_cast %get3A_645 : i32 to index
        %get3A_647 = arith.index_cast %mul3A_641 : i32 to index
        %get3A_648 = tpu.vector_load %arg6[%get3A_646, %get3A_647] {strides = array<i32>} : memref<1x768xf32, #tpu.memory_space<vmem>>, vector<1x16xf32>,
        %get3A_649 = vector.shape_cast %get3A_648 : vector<1x16xf32> to vector<16xf32>
        %add3A_650 = arith.addf %get3A_644, %get3A_649 : vector<16xf32>
        %swap3A = arith.index_cast %scan3A_633 : i32 to index
        %swap3A_651 = arith.index_cast %mul3A_641 : i32 to index
        %swap3A_652 = tpu.vector_load %arg5[%swap3A, %swap3A_651] {strides = array<i32>} : memref<128x768xf32, #tpu.memory_space<vmem>>, vector<1x16xf32>,
        %swap3A_653 = vector.shape_cast %swap3A_652 : vector<1x16xf32> to vector<16xf32>
        %swap3A_654 = vector.shape_cast %add3A_650 : vector<16xf32> to vector<1x16xf32>
        tpu.vector_store %arg5[%swap3A, %swap3A_651], %swap3A_654 {strides = array<i32>} : memref<128x768xf32, #tpu.memory_space<vmem>>, vector<1x16xf32>,
        %scan3A_655 = arith.constant 1 : i32
        %scan3A_656 = arith.addi %scan3A_639, %scan3A_655 : i32
        %mul3A_657 = arith.constant 16 : i32
        %mul3A_658 = arith.muli %scan3A_656, %mul3A_657 : i32
        %get3A_659 = arith.index_cast %scan3A_633 : i32 to index
        %get3A_660 = arith.index_cast %mul3A_658 : i32 to index
        %get3A_661 = tpu.vector_load %arg5[%get3A_659, %get3A_660] {strides = array<i32>} : memref<128x768xf32, #tpu.memory_space<vmem>>, vector<1x16xf32>,
        %get3A_662 = vector.shape_cast %get3A_661 : vector<1x16xf32> to vector<16xf32>
        %get3A_663 = arith.constant 0 : i32
        %get3A_664 = arith.index_cast %get3A_663 : i32 to index
        %get3A_665 = arith.index_cast %mul3A_658 : i32 to index
        %get3A_666 = tpu.vector_load %arg6[%get3A_664, %get3A_665] {strides = array<i32>} : memref<1x768xf32, #tpu.memory_space<vmem>>, vector<1x16xf32>,
        %get3A_667 = vector.shape_cast %get3A_666 : vector<1x16xf32> to vector<16xf32>
        %add3A_668 = arith.addf %get3A_662, %get3A_667 : vector<16xf32>
        %swap3A_669 = arith.index_cast %scan3A_633 : i32 to index
        %swap3A_670 = arith.index_cast %mul3A_658 : i32 to index
        %swap3A_671 = tpu.vector_load %arg5[%swap3A_669, %swap3A_670] {strides = array<i32>} : memref<128x768xf32, #tpu.memory_space<vmem>>, vector<1x16xf32>,
        %swap3A_672 = vector.shape_cast %swap3A_671 : vector<1x16xf32> to vector<16xf32>
        %swap3A_673 = vector.shape_cast %add3A_668 : vector<16xf32> to vector<1x16xf32>
        tpu.vector_store %arg5[%swap3A_669, %swap3A_670], %swap3A_673 {strides = array<i32>} : memref<128x768xf32, #tpu.memory_space<vmem>>, vector<1x16xf32>,
        %scan3A_674 = arith.constant 2 : i32
        %scan3A_675 = arith.addi %scan3A_639, %scan3A_674 : i32
        %mul3A_676 = arith.constant 16 : i32
        %mul3A_677 = arith.muli %scan3A_675, %mul3A_676 : i32
        %get3A_678 = arith.index_cast %scan3A_633 : i32 to index
        %get3A_679 = arith.index_cast %mul3A_677 : i32 to index
        %get3A_680 = tpu.vector_load %arg5[%get3A_678, %get3A_679] {strides = array<i32>} : memref<128x768xf32, #tpu.memory_space<vmem>>, vector<1x16xf32>,
        %get3A_681 = vector.shape_cast %get3A_680 : vector<1x16xf32> to vector<16xf32>
        %get3A_682 = arith.constant 0 : i32
        %get3A_683 = arith.index_cast %get3A_682 : i32 to index
        %get3A_684 = arith.index_cast %mul3A_677 : i32 to index
        %get3A_685 = tpu.vector_load %arg6[%get3A_683, %get3A_684] {strides = array<i32>} : memref<1x768xf32, #tpu.memory_space<vmem>>, vector<1x16xf32>,
        %get3A_686 = vector.shape_cast %get3A_685 : vector<1x16xf32> to vector<16xf32>
        %add3A_687 = arith.addf %get3A_681, %get3A_686 : vector<16xf32>
        %swap3A_688 = arith.index_cast %scan3A_633 : i32 to index
        %swap3A_689 = arith.index_cast %mul3A_677 : i32 to index
        %swap3A_690 = tpu.vector_load %arg5[%swap3A_688, %swap3A_689] {strides = array<i32>} : memref<128x768xf32, #tpu.memory_space<vmem>>, vector<1x16xf32>,
        %swap3A_691 = vector.shape_cast %swap3A_690 : vector<1x16xf32> to vector<16xf32>
        %swap3A_692 = vector.shape_cast %add3A_687 : vector<16xf32> to vector<1x16xf32>
        tpu.vector_store %arg5[%swap3A_688, %swap3A_689], %swap3A_692 {strides = array<i32>} : memref<128x768xf32, #tpu.memory_space<vmem>>, vector<1x16xf32>,
        %scan3A_693 = arith.constant 3 : i32
        %scan3A_694 = arith.addi %scan3A_639, %scan3A_693 : i32
        %mul3A_695 = arith.constant 16 : i32
        %mul3A_696 = arith.muli %scan3A_694, %mul3A_695 : i32
        %get3A_697 = arith.index_cast %scan3A_633 : i32 to index
        %get3A_698 = arith.index_cast %mul3A_696 : i32 to index
        %get3A_699 = tpu.vector_load %arg5[%get3A_697, %get3A_698] {strides = array<i32>} : memref<128x768xf32, #tpu.memory_space<vmem>>, vector<1x16xf32>,
        %get3A_700 = vector.shape_cast %get3A_699 : vector<1x16xf32> to vector<16xf32>
        %get3A_701 = arith.constant 0 : i32
        %get3A_702 = arith.index_cast %get3A_701 : i32 to index
        %get3A_703 = arith.index_cast %mul3A_696 : i32 to index
        %get3A_704 = tpu.vector_load %arg6[%get3A_702, %get3A_703] {strides = array<i32>} : memref<1x768xf32, #tpu.memory_space<vmem>>, vector<1x16xf32>,
        %get3A_705 = vector.shape_cast %get3A_704 : vector<1x16xf32> to vector<16xf32>
        %add3A_706 = arith.addf %get3A_700, %get3A_705 : vector<16xf32>
        %swap3A_707 = arith.index_cast %scan3A_633 : i32 to index
        %swap3A_708 = arith.index_cast %mul3A_696 : i32 to index
        %swap3A_709 = tpu.vector_load %arg5[%swap3A_707, %swap3A_708] {strides = array<i32>} : memref<128x768xf32, #tpu.memory_space<vmem>>, vector<1x16xf32>,
        %swap3A_710 = vector.shape_cast %swap3A_709 : vector<1x16xf32> to vector<16xf32>
        %swap3A_711 = vector.shape_cast %add3A_706 : vector<16xf32> to vector<1x16xf32>
        tpu.vector_store %arg5[%swap3A_707, %swap3A_708], %swap3A_711 {strides = array<i32>} : memref<128x768xf32, #tpu.memory_space<vmem>>, vector<1x16xf32>,
        %scan3A_712 = arith.constant 4 : i32
        %scan3A_713 = arith.addi %scan3A_639, %scan3A_712 : i32
        %mul3A_714 = arith.constant 16 : i32
        %mul3A_715 = arith.muli %scan3A_713, %mul3A_714 : i32
        %get3A_716 = arith.index_cast %scan3A_633 : i32 to index
        %get3A_717 = arith.index_cast %mul3A_715 : i32 to index
        %get3A_718 = tpu.vector_load %arg5[%get3A_716, %get3A_717] {strides = array<i32>} : memref<128x768xf32, #tpu.memory_space<vmem>>, vector<1x16xf32>,
        %get3A_719 = vector.shape_cast %get3A_718 : vector<1x16xf32> to vector<16xf32>
        %get3A_720 = arith.constant 0 : i32
        %get3A_721 = arith.index_cast %get3A_720 : i32 to index
        %get3A_722 = arith.index_cast %mul3A_715 : i32 to index
        %get3A_723 = tpu.vector_load %arg6[%get3A_721, %get3A_722] {strides = array<i32>} : memref<1x768xf32, #tpu.memory_space<vmem>>, vector<1x16xf32>,
        %get3A_724 = vector.shape_cast %get3A_723 : vector<1x16xf32> to vector<16xf32>
        %add3A_725 = arith.addf %get3A_719, %get3A_724 : vector<16xf32>
        %swap3A_726 = arith.index_cast %scan3A_633 : i32 to index
        %swap3A_727 = arith.index_cast %mul3A_715 : i32 to index
        %swap3A_728 = tpu.vector_load %arg5[%swap3A_726, %swap3A_727] {strides = array<i32>} : memref<128x768xf32, #tpu.memory_space<vmem>>, vector<1x16xf32>,
        %swap3A_729 = vector.shape_cast %swap3A_728 : vector<1x16xf32> to vector<16xf32>
        %swap3A_730 = vector.shape_cast %add3A_725 : vector<16xf32> to vector<1x16xf32>
        tpu.vector_store %arg5[%swap3A_726, %swap3A_727], %swap3A_730 {strides = array<i32>} : memref<128x768xf32, #tpu.memory_space<vmem>>, vector<1x16xf32>,
        %scan3A_731 = arith.constant 5 : i32
        %scan3A_732 = arith.addi %scan3A_639, %scan3A_731 : i32
        %mul3A_733 = arith.constant 16 : i32
        %mul3A_734 = arith.muli %scan3A_732, %mul3A_733 : i32
        %get3A_735 = arith.index_cast %scan3A_633 : i32 to index
        %get3A_736 = arith.index_cast %mul3A_734 : i32 to index
        %get3A_737 = tpu.vector_load %arg5[%get3A_735, %get3A_736] {strides = array<i32>} : memref<128x768xf32, #tpu.memory_space<vmem>>, vector<1x16xf32>,
        %get3A_738 = vector.shape_cast %get3A_737 : vector<1x16xf32> to vector<16xf32>
        %get3A_739 = arith.constant 0 : i32
        %get3A_740 = arith.index_cast %get3A_739 : i32 to index
        %get3A_741 = arith.index_cast %mul3A_734 : i32 to index
        %get3A_742 = tpu.vector_load %arg6[%get3A_740, %get3A_741] {strides = array<i32>} : memref<1x768xf32, #tpu.memory_space<vmem>>, vector<1x16xf32>,
        %get3A_743 = vector.shape_cast %get3A_742 : vector<1x16xf32> to vector<16xf32>
        %add3A_744 = arith.addf %get3A_738, %get3A_743 : vector<16xf32>
        %swap3A_745 = arith.index_cast %scan3A_633 : i32 to index
        %swap3A_746 = arith.index_cast %mul3A_734 : i32 to index
        %swap3A_747 = tpu.vector_load %arg5[%swap3A_745, %swap3A_746] {strides = array<i32>} : memref<128x768xf32, #tpu.memory_space<vmem>>, vector<1x16xf32>,
        %swap3A_748 = vector.shape_cast %swap3A_747 : vector<1x16xf32> to vector<16xf32>
        %swap3A_749 = vector.shape_cast %add3A_744 : vector<16xf32> to vector<1x16xf32>
        tpu.vector_store %arg5[%swap3A_745, %swap3A_746], %swap3A_749 {strides = array<i32>} : memref<128x768xf32, #tpu.memory_space<vmem>>, vector<1x16xf32>,
        %scan3A_750 = arith.constant 6 : i32
        %scan3A_751 = arith.addi %scan3A_639, %scan3A_750 : i32
        %mul3A_752 = arith.constant 16 : i32
        %mul3A_753 = arith.muli %scan3A_751, %mul3A_752 : i32
        %get3A_754 = arith.index_cast %scan3A_633 : i32 to index
        %get3A_755 = arith.index_cast %mul3A_753 : i32 to index
        %get3A_756 = tpu.vector_load %arg5[%get3A_754, %get3A_755] {strides = array<i32>} : memref<128x768xf32, #tpu.memory_space<vmem>>, vector<1x16xf32>,
        %get3A_757 = vector.shape_cast %get3A_756 : vector<1x16xf32> to vector<16xf32>
        %get3A_758 = arith.constant 0 : i32
        %get3A_759 = arith.index_cast %get3A_758 : i32 to index
        %get3A_760 = arith.index_cast %mul3A_753 : i32 to index
        %get3A_761 = tpu.vector_load %arg6[%get3A_759, %get3A_760] {strides = array<i32>} : memref<1x768xf32, #tpu.memory_space<vmem>>, vector<1x16xf32>,
        %get3A_762 = vector.shape_cast %get3A_761 : vector<1x16xf32> to vector<16xf32>
        %add3A_763 = arith.addf %get3A_757, %get3A_762 : vector<16xf32>
        %swap3A_764 = arith.index_cast %scan3A_633 : i32 to index
        %swap3A_765 = arith.index_cast %mul3A_753 : i32 to index
        %swap3A_766 = tpu.vector_load %arg5[%swap3A_764, %swap3A_765] {strides = array<i32>} : memref<128x768xf32, #tpu.memory_space<vmem>>, vector<1x16xf32>,
        %swap3A_767 = vector.shape_cast %swap3A_766 : vector<1x16xf32> to vector<16xf32>
        %swap3A_768 = vector.shape_cast %add3A_763 : vector<16xf32> to vector<1x16xf32>
        tpu.vector_store %arg5[%swap3A_764, %swap3A_765], %swap3A_768 {strides = array<i32>} : memref<128x768xf32, #tpu.memory_space<vmem>>, vector<1x16xf32>,
        %scan3A_769 = arith.constant 7 : i32
        %scan3A_770 = arith.addi %scan3A_639, %scan3A_769 : i32
        %mul3A_771 = arith.constant 16 : i32
        %mul3A_772 = arith.muli %scan3A_770, %mul3A_771 : i32
        %get3A_773 = arith.index_cast %scan3A_633 : i32 to index
        %get3A_774 = arith.index_cast %mul3A_772 : i32 to index
        %get3A_775 = tpu.vector_load %arg5[%get3A_773, %get3A_774] {strides = array<i32>} : memref<128x768xf32, #tpu.memory_space<vmem>>, vector<1x16xf32>,
        %get3A_776 = vector.shape_cast %get3A_775 : vector<1x16xf32> to vector<16xf32>
        %get3A_777 = arith.constant 0 : i32
        %get3A_778 = arith.index_cast %get3A_777 : i32 to index
        %get3A_779 = arith.index_cast %mul3A_772 : i32 to index
        %get3A_780 = tpu.vector_load %arg6[%get3A_778, %get3A_779] {strides = array<i32>} : memref<1x768xf32, #tpu.memory_space<vmem>>, vector<1x16xf32>,
        %get3A_781 = vector.shape_cast %get3A_780 : vector<1x16xf32> to vector<16xf32>
        %add3A_782 = arith.addf %get3A_776, %get3A_781 : vector<16xf32>
        %swap3A_783 = arith.index_cast %scan3A_633 : i32 to index
        %swap3A_784 = arith.index_cast %mul3A_772 : i32 to index
        %swap3A_785 = tpu.vector_load %arg5[%swap3A_783, %swap3A_784] {strides = array<i32>} : memref<128x768xf32, #tpu.memory_space<vmem>>, vector<1x16xf32>,
        %swap3A_786 = vector.shape_cast %swap3A_785 : vector<1x16xf32> to vector<16xf32>
        %swap3A_787 = vector.shape_cast %add3A_782 : vector<16xf32> to vector<1x16xf32>
        tpu.vector_store %arg5[%swap3A_783, %swap3A_784], %swap3A_787 {strides = array<i32>} : memref<128x768xf32, #tpu.memory_space<vmem>>, vector<1x16xf32>,
      }
      %scan3A_638 = arith.constant 48 : i32
    }
    %scan3A_130 = arith.constant 32 : i32
    %add3A_131 = arith.constant 0 : i32
    %add3A_132 = arith.addi %mul3A_2, %add3A_131 : i32
    %dma_start3A_133 = arith.constant 0 : i32
    %dma_start3A_134 = arith.constant 0 : i32
    %dma_start3A_135 = arith.constant 0 : i32
    %dma_start3A_136 = tpu.memref_slice %arg5[%dma_start3A_134, %dma_start3A_135] : memref<128x768xf32, #tpu.memory_space<vmem>> -> memref<32x768xf32, #tpu.memory_space<vmem>>
    %dma_start3A_137 = arith.constant 0 : i32
    %dma_start3A_138 = tpu.memref_slice %arg4[%dma_start3A_133, %add3A_132, %dma_start3A_137] : memref<4x4096x768xf32, #tpu.memory_space<hbm>> -> memref<1x32x768xf32, #tpu.memory_space<hbm>>
    %dma_start3A_139 = tpu.memref_squeeze %dma_start3A_138 : memref<1x32x768xf32, #tpu.memory_space<hbm>> -> memref<32x768xf32, #tpu.memory_space<hbm>>
    %dma_start3A_140 = arith.constant 0 : i32
    %dma_start3A_141 = tpu.memref_slice %arg4[%dma_start3A_133, %add3A_132, %dma_start3A_140] : memref<4x4096x768xf32, #tpu.memory_space<hbm>> -> memref<1x32x768xf32, #tpu.memory_space<hbm>>
    %dma_start3A_142 = tpu.memref_squeeze %dma_start3A_141 : memref<1x32x768xf32, #tpu.memory_space<hbm>> -> memref<32x768xf32, #tpu.memory_space<hbm>>
    %dma_start3A_143 = arith.constant 0 : i32
    %dma_start3A_144 = arith.constant 0 : i32
    %dma_start3A_145 = tpu.memref_slice %arg5[%dma_start3A_143, %dma_start3A_144] : memref<128x768xf32, #tpu.memory_space<vmem>> -> memref<32x768xf32, #tpu.memory_space<vmem>>
    tpu.enqueue_dma source(%dma_start3A_145 : memref<32x768xf32, #tpu.memory_space<vmem>>) target(%dma_start3A_142 : memref<32x768xf32, #tpu.memory_space<hbm>>) target_semaphore(%arg9 : memref<!tpu.dma_semaphore, #tpu.memory_space<semaphore_mem>>)
    %add3A_146 = arith.constant 0 : i32
    %add3A_147 = arith.addi %mul3A_2, %add3A_146 : i32
    %dma_start3A_148 = arith.constant 1 : i32
    %dma_start3A_149 = arith.constant 0 : i32
    %dma_start3A_150 = arith.constant 0 : i32
    %dma_start3A_151 = tpu.memref_slice %arg5[%dma_start3A_149, %dma_start3A_150] : memref<128x768xf32, #tpu.memory_space<vmem>> -> memref<32x768xf32, #tpu.memory_space<vmem>>
    %dma_start3A_152 = arith.constant 0 : i32
    %dma_start3A_153 = tpu.memref_slice %arg4[%dma_start3A_148, %add3A_147, %dma_start3A_152] : memref<4x4096x768xf32, #tpu.memory_space<hbm>> -> memref<1x32x768xf32, #tpu.memory_space<hbm>>
    %dma_start3A_154 = tpu.memref_squeeze %dma_start3A_153 : memref<1x32x768xf32, #tpu.memory_space<hbm>> -> memref<32x768xf32, #tpu.memory_space<hbm>>
    %dma_start3A_155 = arith.constant 0 : i32
    %dma_start3A_156 = tpu.memref_slice %arg4[%dma_start3A_148, %add3A_147, %dma_start3A_155] : memref<4x4096x768xf32, #tpu.memory_space<hbm>> -> memref<1x32x768xf32, #tpu.memory_space<hbm>>
    %dma_start3A_157 = tpu.memref_squeeze %dma_start3A_156 : memref<1x32x768xf32, #tpu.memory_space<hbm>> -> memref<32x768xf32, #tpu.memory_space<hbm>>
    %dma_start3A_158 = arith.constant 0 : i32
    %dma_start3A_159 = arith.constant 0 : i32
    %dma_start3A_160 = tpu.memref_slice %arg5[%dma_start3A_158, %dma_start3A_159] : memref<128x768xf32, #tpu.memory_space<vmem>> -> memref<32x768xf32, #tpu.memory_space<vmem>>
    tpu.enqueue_dma source(%dma_start3A_160 : memref<32x768xf32, #tpu.memory_space<vmem>>) target(%dma_start3A_157 : memref<32x768xf32, #tpu.memory_space<hbm>>) target_semaphore(%arg9 : memref<!tpu.dma_semaphore, #tpu.memory_space<semaphore_mem>>)
    %add3A_161 = arith.constant 0 : i32
    %add3A_162 = arith.addi %mul3A_2, %add3A_161 : i32
    %dma_start3A_163 = arith.constant 2 : i32
    %dma_start3A_164 = arith.constant 0 : i32
    %dma_start3A_165 = arith.constant 0 : i32
    %dma_start3A_166 = tpu.memref_slice %arg5[%dma_start3A_164, %dma_start3A_165] : memref<128x768xf32, #tpu.memory_space<vmem>> -> memref<32x768xf32, #tpu.memory_space<vmem>>
    %dma_start3A_167 = arith.constant 0 : i32
    %dma_start3A_168 = tpu.memref_slice %arg4[%dma_start3A_163, %add3A_162, %dma_start3A_167] : memref<4x4096x768xf32, #tpu.memory_space<hbm>> -> memref<1x32x768xf32, #tpu.memory_space<hbm>>
    %dma_start3A_169 = tpu.memref_squeeze %dma_start3A_168 : memref<1x32x768xf32, #tpu.memory_space<hbm>> -> memref<32x768xf32, #tpu.memory_space<hbm>>
    %dma_start3A_170 = arith.constant 0 : i32
    %dma_start3A_171 = tpu.memref_slice %arg4[%dma_start3A_163, %add3A_162, %dma_start3A_170] : memref<4x4096x768xf32, #tpu.memory_space<hbm>> -> memref<1x32x768xf32, #tpu.memory_space<hbm>>
    %dma_start3A_172 = tpu.memref_squeeze %dma_start3A_171 : memref<1x32x768xf32, #tpu.memory_space<hbm>> -> memref<32x768xf32, #tpu.memory_space<hbm>>
    %dma_start3A_173 = arith.constant 0 : i32
    %dma_start3A_174 = arith.constant 0 : i32
    %dma_start3A_175 = tpu.memref_slice %arg5[%dma_start3A_173, %dma_start3A_174] : memref<128x768xf32, #tpu.memory_space<vmem>> -> memref<32x768xf32, #tpu.memory_space<vmem>>
    tpu.enqueue_dma source(%dma_start3A_175 : memref<32x768xf32, #tpu.memory_space<vmem>>) target(%dma_start3A_172 : memref<32x768xf32, #tpu.memory_space<hbm>>) target_semaphore(%arg9 : memref<!tpu.dma_semaphore, #tpu.memory_space<semaphore_mem>>)
    %add3A_176 = arith.constant 0 : i32
    %add3A_177 = arith.addi %mul3A_2, %add3A_176 : i32
    %dma_start3A_178 = arith.constant 3 : i32
    %dma_start3A_179 = arith.constant 0 : i32
    %dma_start3A_180 = arith.constant 0 : i32
    %dma_start3A_181 = tpu.memref_slice %arg5[%dma_start3A_179, %dma_start3A_180] : memref<128x768xf32, #tpu.memory_space<vmem>> -> memref<32x768xf32, #tpu.memory_space<vmem>>
    %dma_start3A_182 = arith.constant 0 : i32
    %dma_start3A_183 = tpu.memref_slice %arg4[%dma_start3A_178, %add3A_177, %dma_start3A_182] : memref<4x4096x768xf32, #tpu.memory_space<hbm>> -> memref<1x32x768xf32, #tpu.memory_space<hbm>>
    %dma_start3A_184 = tpu.memref_squeeze %dma_start3A_183 : memref<1x32x768xf32, #tpu.memory_space<hbm>> -> memref<32x768xf32, #tpu.memory_space<hbm>>
    %dma_start3A_185 = arith.constant 0 : i32
    %dma_start3A_186 = tpu.memref_slice %arg4[%dma_start3A_178, %add3A_177, %dma_start3A_185] : memref<4x4096x768xf32, #tpu.memory_space<hbm>> -> memref<1x32x768xf32, #tpu.memory_space<hbm>>
    %dma_start3A_187 = tpu.memref_squeeze %dma_start3A_186 : memref<1x32x768xf32, #tpu.memory_space<hbm>> -> memref<32x768xf32, #tpu.memory_space<hbm>>
    %dma_start3A_188 = arith.constant 0 : i32
    %dma_start3A_189 = arith.constant 0 : i32
    %dma_start3A_190 = tpu.memref_slice %arg5[%dma_start3A_188, %dma_start3A_189] : memref<128x768xf32, #tpu.memory_space<vmem>> -> memref<32x768xf32, #tpu.memory_space<vmem>>
    tpu.enqueue_dma source(%dma_start3A_190 : memref<32x768xf32, #tpu.memory_space<vmem>>) target(%dma_start3A_187 : memref<32x768xf32, #tpu.memory_space<hbm>>) target_semaphore(%arg9 : memref<!tpu.dma_semaphore, #tpu.memory_space<semaphore_mem>>)
    %dma_wait3A_191 = arith.constant 32 : i32
    %dma_wait3A_192 = arith.constant 0 : i32
    %dma_wait3A_193 = tpu.memref_slice %arg5[%dma_wait3A_191, %dma_wait3A_192] : memref<128x768xf32, #tpu.memory_space<vmem>> -> memref<32x768xf32, #tpu.memory_space<vmem>>
    %dma_wait3A_194 = arith.constant 32 : i32
    %dma_wait3A_195 = arith.constant 0 : i32
    %dma_wait3A_196 = tpu.memref_slice %arg7[%dma_wait3A_194, %dma_wait3A_195] : memref<128x768xf32, #tpu.memory_space<vmem_shared>> -> memref<32x768xf32, #tpu.memory_space<vmem_shared>>
    %dma_wait3A_197 = arith.constant 32 : i32
    %dma_wait3A_198 = arith.constant 0 : i32
    %dma_wait3A_199 = tpu.memref_slice %arg5[%dma_wait3A_197, %dma_wait3A_198] : memref<128x768xf32, #tpu.memory_space<vmem>> -> memref<32x768xf32, #tpu.memory_space<vmem>>
    %dma_wait3A_200 = arith.constant 32 : i32
    %dma_wait3A_201 = arith.constant 0 : i32
    %dma_wait3A_202 = tpu.memref_slice %arg7[%dma_wait3A_200, %dma_wait3A_201] : memref<128x768xf32, #tpu.memory_space<vmem_shared>> -> memref<32x768xf32, #tpu.memory_space<vmem_shared>>
    tpu.wait_dma2 semaphore(%arg8 : memref<!tpu.dma_semaphore, #tpu.memory_space<semaphore_mem>>) src(%dma_wait3A_202 : memref<32x768xf32, #tpu.memory_space<vmem_shared>>) dst(%dma_wait3A_199 : memref<32x768xf32, #tpu.memory_space<vmem>>)
    %scan3A_203 = arith.constant 0 : i32
    %scan3A_204 = arith.constant 32 : i32
    %scan3A_205 = arith.constant 32 : i32
    %scan3A_206 = arith.addi %scan3A_204, %scan3A_205 : i32
    %scan3A_207 = arith.constant 1 : i32
    scf.for %scan3A_633 = %scan3A_204 to %scan3A_206 step %scan3A_207  : i32 {
      %scan3A_634 = arith.constant 0 : i32
      %scan3A_635 = arith.constant 48 : i32
      %scan3A_636 = arith.addi %scan3A_634, %scan3A_635 : i32
      %scan3A_637 = arith.constant 8 : i32
      scf.for %scan3A_639 = %scan3A_634 to %scan3A_636 step %scan3A_637  : i32 {
        %mul3A_640 = arith.constant 16 : i32
        %mul3A_641 = arith.muli %scan3A_639, %mul3A_640 : i32
        %get3A = arith.index_cast %scan3A_633 : i32 to index
        %get3A_642 = arith.index_cast %mul3A_641 : i32 to index
        %get3A_643 = tpu.vector_load %arg5[%get3A, %get3A_642] {strides = array<i32>} : memref<128x768xf32, #tpu.memory_space<vmem>>, vector<1x16xf32>,
        %get3A_644 = vector.shape_cast %get3A_643 : vector<1x16xf32> to vector<16xf32>
        %get3A_645 = arith.constant 0 : i32
        %get3A_646 = arith.index_cast %get3A_645 : i32 to index
        %get3A_647 = arith.index_cast %mul3A_641 : i32 to index
        %get3A_648 = tpu.vector_load %arg6[%get3A_646, %get3A_647] {strides = array<i32>} : memref<1x768xf32, #tpu.memory_space<vmem>>, vector<1x16xf32>,
        %get3A_649 = vector.shape_cast %get3A_648 : vector<1x16xf32> to vector<16xf32>
        %add3A_650 = arith.addf %get3A_644, %get3A_649 : vector<16xf32>
        %swap3A = arith.index_cast %scan3A_633 : i32 to index
        %swap3A_651 = arith.index_cast %mul3A_641 : i32 to index
        %swap3A_652 = tpu.vector_load %arg5[%swap3A, %swap3A_651] {strides = array<i32>} : memref<128x768xf32, #tpu.memory_space<vmem>>, vector<1x16xf32>,
        %swap3A_653 = vector.shape_cast %swap3A_652 : vector<1x16xf32> to vector<16xf32>
        %swap3A_654 = vector.shape_cast %add3A_650 : vector<16xf32> to vector<1x16xf32>
        tpu.vector_store %arg5[%swap3A, %swap3A_651], %swap3A_654 {strides = array<i32>} : memref<128x768xf32, #tpu.memory_space<vmem>>, vector<1x16xf32>,
        %scan3A_655 = arith.constant 1 : i32
        %scan3A_656 = arith.addi %scan3A_639, %scan3A_655 : i32
        %mul3A_657 = arith.constant 16 : i32
        %mul3A_658 = arith.muli %scan3A_656, %mul3A_657 : i32
        %get3A_659 = arith.index_cast %scan3A_633 : i32 to index
        %get3A_660 = arith.index_cast %mul3A_658 : i32 to index
        %get3A_661 = tpu.vector_load %arg5[%get3A_659, %get3A_660] {strides = array<i32>} : memref<128x768xf32, #tpu.memory_space<vmem>>, vector<1x16xf32>,
        %get3A_662 = vector.shape_cast %get3A_661 : vector<1x16xf32> to vector<16xf32>
        %get3A_663 = arith.constant 0 : i32
        %get3A_664 = arith.index_cast %get3A_663 : i32 to index
        %get3A_665 = arith.index_cast %mul3A_658 : i32 to index
        %get3A_666 = tpu.vector_load %arg6[%get3A_664, %get3A_665] {strides = array<i32>} : memref<1x768xf32, #tpu.memory_space<vmem>>, vector<1x16xf32>,
        %get3A_667 = vector.shape_cast %get3A_666 : vector<1x16xf32> to vector<16xf32>
        %add3A_668 = arith.addf %get3A_662, %get3A_667 : vector<16xf32>
        %swap3A_669 = arith.index_cast %scan3A_633 : i32 to index
        %swap3A_670 = arith.index_cast %mul3A_658 : i32 to index
        %swap3A_671 = tpu.vector_load %arg5[%swap3A_669, %swap3A_670] {strides = array<i32>} : memref<128x768xf32, #tpu.memory_space<vmem>>, vector<1x16xf32>,
        %swap3A_672 = vector.shape_cast %swap3A_671 : vector<1x16xf32> to vector<16xf32>
        %swap3A_673 = vector.shape_cast %add3A_668 : vector<16xf32> to vector<1x16xf32>
        tpu.vector_store %arg5[%swap3A_669, %swap3A_670], %swap3A_673 {strides = array<i32>} : memref<128x768xf32, #tpu.memory_space<vmem>>, vector<1x16xf32>,
        %scan3A_674 = arith.constant 2 : i32
        %scan3A_675 = arith.addi %scan3A_639, %scan3A_674 : i32
        %mul3A_676 = arith.constant 16 : i32
        %mul3A_677 = arith.muli %scan3A_675, %mul3A_676 : i32
        %get3A_678 = arith.index_cast %scan3A_633 : i32 to index
        %get3A_679 = arith.index_cast %mul3A_677 : i32 to index
        %get3A_680 = tpu.vector_load %arg5[%get3A_678, %get3A_679] {strides = array<i32>} : memref<128x768xf32, #tpu.memory_space<vmem>>, vector<1x16xf32>,
        %get3A_681 = vector.shape_cast %get3A_680 : vector<1x16xf32> to vector<16xf32>
        %get3A_682 = arith.constant 0 : i32
        %get3A_683 = arith.index_cast %get3A_682 : i32 to index
        %get3A_684 = arith.index_cast %mul3A_677 : i32 to index
        %get3A_685 = tpu.vector_load %arg6[%get3A_683, %get3A_684] {strides = array<i32>} : memref<1x768xf32, #tpu.memory_space<vmem>>, vector<1x16xf32>,
        %get3A_686 = vector.shape_cast %get3A_685 : vector<1x16xf32> to vector<16xf32>
        %add3A_687 = arith.addf %get3A_681, %get3A_686 : vector<16xf32>
        %swap3A_688 = arith.index_cast %scan3A_633 : i32 to index
        %swap3A_689 = arith.index_cast %mul3A_677 : i32 to index
        %swap3A_690 = tpu.vector_load %arg5[%swap3A_688, %swap3A_689] {strides = array<i32>} : memref<128x768xf32, #tpu.memory_space<vmem>>, vector<1x16xf32>,
        %swap3A_691 = vector.shape_cast %swap3A_690 : vector<1x16xf32> to vector<16xf32>
        %swap3A_692 = vector.shape_cast %add3A_687 : vector<16xf32> to vector<1x16xf32>
        tpu.vector_store %arg5[%swap3A_688, %swap3A_689], %swap3A_692 {strides = array<i32>} : memref<128x768xf32, #tpu.memory_space<vmem>>, vector<1x16xf32>,
        %scan3A_693 = arith.constant 3 : i32
        %scan3A_694 = arith.addi %scan3A_639, %scan3A_693 : i32
        %mul3A_695 = arith.constant 16 : i32
        %mul3A_696 = arith.muli %scan3A_694, %mul3A_695 : i32
        %get3A_697 = arith.index_cast %scan3A_633 : i32 to index
        %get3A_698 = arith.index_cast %mul3A_696 : i32 to index
        %get3A_699 = tpu.vector_load %arg5[%get3A_697, %get3A_698] {strides = array<i32>} : memref<128x768xf32, #tpu.memory_space<vmem>>, vector<1x16xf32>,
        %get3A_700 = vector.shape_cast %get3A_699 : vector<1x16xf32> to vector<16xf32>
        %get3A_701 = arith.constant 0 : i32
        %get3A_702 = arith.index_cast %get3A_701 : i32 to index
        %get3A_703 = arith.index_cast %mul3A_696 : i32 to index
        %get3A_704 = tpu.vector_load %arg6[%get3A_702, %get3A_703] {strides = array<i32>} : memref<1x768xf32, #tpu.memory_space<vmem>>, vector<1x16xf32>,
        %get3A_705 = vector.shape_cast %get3A_704 : vector<1x16xf32> to vector<16xf32>
        %add3A_706 = arith.addf %get3A_700, %get3A_705 : vector<16xf32>
        %swap3A_707 = arith.index_cast %scan3A_633 : i32 to index
        %swap3A_708 = arith.index_cast %mul3A_696 : i32 to index
        %swap3A_709 = tpu.vector_load %arg5[%swap3A_707, %swap3A_708] {strides = array<i32>} : memref<128x768xf32, #tpu.memory_space<vmem>>, vector<1x16xf32>,
        %swap3A_710 = vector.shape_cast %swap3A_709 : vector<1x16xf32> to vector<16xf32>
        %swap3A_711 = vector.shape_cast %add3A_706 : vector<16xf32> to vector<1x16xf32>
        tpu.vector_store %arg5[%swap3A_707, %swap3A_708], %swap3A_711 {strides = array<i32>} : memref<128x768xf32, #tpu.memory_space<vmem>>, vector<1x16xf32>,
        %scan3A_712 = arith.constant 4 : i32
        %scan3A_713 = arith.addi %scan3A_639, %scan3A_712 : i32
        %mul3A_714 = arith.constant 16 : i32
        %mul3A_715 = arith.muli %scan3A_713, %mul3A_714 : i32
        %get3A_716 = arith.index_cast %scan3A_633 : i32 to index
        %get3A_717 = arith.index_cast %mul3A_715 : i32 to index
        %get3A_718 = tpu.vector_load %arg5[%get3A_716, %get3A_717] {strides = array<i32>} : memref<128x768xf32, #tpu.memory_space<vmem>>, vector<1x16xf32>,
        %get3A_719 = vector.shape_cast %get3A_718 : vector<1x16xf32> to vector<16xf32>
        %get3A_720 = arith.constant 0 : i32
        %get3A_721 = arith.index_cast %get3A_720 : i32 to index
        %get3A_722 = arith.index_cast %mul3A_715 : i32 to index
        %get3A_723 = tpu.vector_load %arg6[%get3A_721, %get3A_722] {strides = array<i32>} : memref<1x768xf32, #tpu.memory_space<vmem>>, vector<1x16xf32>,
        %get3A_724 = vector.shape_cast %get3A_723 : vector<1x16xf32> to vector<16xf32>
        %add3A_725 = arith.addf %get3A_719, %get3A_724 : vector<16xf32>
        %swap3A_726 = arith.index_cast %scan3A_633 : i32 to index
        %swap3A_727 = arith.index_cast %mul3A_715 : i32 to index
        %swap3A_728 = tpu.vector_load %arg5[%swap3A_726, %swap3A_727] {strides = array<i32>} : memref<128x768xf32, #tpu.memory_space<vmem>>, vector<1x16xf32>,
        %swap3A_729 = vector.shape_cast %swap3A_728 : vector<1x16xf32> to vector<16xf32>
        %swap3A_730 = vector.shape_cast %add3A_725 : vector<16xf32> to vector<1x16xf32>
        tpu.vector_store %arg5[%swap3A_726, %swap3A_727], %swap3A_730 {strides = array<i32>} : memref<128x768xf32, #tpu.memory_space<vmem>>, vector<1x16xf32>,
        %scan3A_731 = arith.constant 5 : i32
        %scan3A_732 = arith.addi %scan3A_639, %scan3A_731 : i32
        %mul3A_733 = arith.constant 16 : i32
        %mul3A_734 = arith.muli %scan3A_732, %mul3A_733 : i32
        %get3A_735 = arith.index_cast %scan3A_633 : i32 to index
        %get3A_736 = arith.index_cast %mul3A_734 : i32 to index
        %get3A_737 = tpu.vector_load %arg5[%get3A_735, %get3A_736] {strides = array<i32>} : memref<128x768xf32, #tpu.memory_space<vmem>>, vector<1x16xf32>,
        %get3A_738 = vector.shape_cast %get3A_737 : vector<1x16xf32> to vector<16xf32>
        %get3A_739 = arith.constant 0 : i32
        %get3A_740 = arith.index_cast %get3A_739 : i32 to index
        %get3A_741 = arith.index_cast %mul3A_734 : i32 to index
        %get3A_742 = tpu.vector_load %arg6[%get3A_740, %get3A_741] {strides = array<i32>} : memref<1x768xf32, #tpu.memory_space<vmem>>, vector<1x16xf32>,
        %get3A_743 = vector.shape_cast %get3A_742 : vector<1x16xf32> to vector<16xf32>
        %add3A_744 = arith.addf %get3A_738, %get3A_743 : vector<16xf32>
        %swap3A_745 = arith.index_cast %scan3A_633 : i32 to index
        %swap3A_746 = arith.index_cast %mul3A_734 : i32 to index
        %swap3A_747 = tpu.vector_load %arg5[%swap3A_745, %swap3A_746] {strides = array<i32>} : memref<128x768xf32, #tpu.memory_space<vmem>>, vector<1x16xf32>,
        %swap3A_748 = vector.shape_cast %swap3A_747 : vector<1x16xf32> to vector<16xf32>
        %swap3A_749 = vector.shape_cast %add3A_744 : vector<16xf32> to vector<1x16xf32>
        tpu.vector_store %arg5[%swap3A_745, %swap3A_746], %swap3A_749 {strides = array<i32>} : memref<128x768xf32, #tpu.memory_space<vmem>>, vector<1x16xf32>,
        %scan3A_750 = arith.constant 6 : i32
        %scan3A_751 = arith.addi %scan3A_639, %scan3A_750 : i32
        %mul3A_752 = arith.constant 16 : i32
        %mul3A_753 = arith.muli %scan3A_751, %mul3A_752 : i32
        %get3A_754 = arith.index_cast %scan3A_633 : i32 to index
        %get3A_755 = arith.index_cast %mul3A_753 : i32 to index
        %get3A_756 = tpu.vector_load %arg5[%get3A_754, %get3A_755] {strides = array<i32>} : memref<128x768xf32, #tpu.memory_space<vmem>>, vector<1x16xf32>,
        %get3A_757 = vector.shape_cast %get3A_756 : vector<1x16xf32> to vector<16xf32>
        %get3A_758 = arith.constant 0 : i32
        %get3A_759 = arith.index_cast %get3A_758 : i32 to index
        %get3A_760 = arith.index_cast %mul3A_753 : i32 to index
        %get3A_761 = tpu.vector_load %arg6[%get3A_759, %get3A_760] {strides = array<i32>} : memref<1x768xf32, #tpu.memory_space<vmem>>, vector<1x16xf32>,
        %get3A_762 = vector.shape_cast %get3A_761 : vector<1x16xf32> to vector<16xf32>
        %add3A_763 = arith.addf %get3A_757, %get3A_762 : vector<16xf32>
        %swap3A_764 = arith.index_cast %scan3A_633 : i32 to index
        %swap3A_765 = arith.index_cast %mul3A_753 : i32 to index
        %swap3A_766 = tpu.vector_load %arg5[%swap3A_764, %swap3A_765] {strides = array<i32>} : memref<128x768xf32, #tpu.memory_space<vmem>>, vector<1x16xf32>,
        %swap3A_767 = vector.shape_cast %swap3A_766 : vector<1x16xf32> to vector<16xf32>
        %swap3A_768 = vector.shape_cast %add3A_763 : vector<16xf32> to vector<1x16xf32>
        tpu.vector_store %arg5[%swap3A_764, %swap3A_765], %swap3A_768 {strides = array<i32>} : memref<128x768xf32, #tpu.memory_space<vmem>>, vector<1x16xf32>,
        %scan3A_769 = arith.constant 7 : i32
        %scan3A_770 = arith.addi %scan3A_639, %scan3A_769 : i32
        %mul3A_771 = arith.constant 16 : i32
        %mul3A_772 = arith.muli %scan3A_770, %mul3A_771 : i32
        %get3A_773 = arith.index_cast %scan3A_633 : i32 to index
        %get3A_774 = arith.index_cast %mul3A_772 : i32 to index
        %get3A_775 = tpu.vector_load %arg5[%get3A_773, %get3A_774] {strides = array<i32>} : memref<128x768xf32, #tpu.memory_space<vmem>>, vector<1x16xf32>,
        %get3A_776 = vector.shape_cast %get3A_775 : vector<1x16xf32> to vector<16xf32>
        %get3A_777 = arith.constant 0 : i32
        %get3A_778 = arith.index_cast %get3A_777 : i32 to index
        %get3A_779 = arith.index_cast %mul3A_772 : i32 to index
        %get3A_780 = tpu.vector_load %arg6[%get3A_778, %get3A_779] {strides = array<i32>} : memref<1x768xf32, #tpu.memory_space<vmem>>, vector<1x16xf32>,
        %get3A_781 = vector.shape_cast %get3A_780 : vector<1x16xf32> to vector<16xf32>
        %add3A_782 = arith.addf %get3A_776, %get3A_781 : vector<16xf32>
        %swap3A_783 = arith.index_cast %scan3A_633 : i32 to index
        %swap3A_784 = arith.index_cast %mul3A_772 : i32 to index
        %swap3A_785 = tpu.vector_load %arg5[%swap3A_783, %swap3A_784] {strides = array<i32>} : memref<128x768xf32, #tpu.memory_space<vmem>>, vector<1x16xf32>,
        %swap3A_786 = vector.shape_cast %swap3A_785 : vector<1x16xf32> to vector<16xf32>
        %swap3A_787 = vector.shape_cast %add3A_782 : vector<16xf32> to vector<1x16xf32>
        tpu.vector_store %arg5[%swap3A_783, %swap3A_784], %swap3A_787 {strides = array<i32>} : memref<128x768xf32, #tpu.memory_space<vmem>>, vector<1x16xf32>,
      }
      %scan3A_638 = arith.constant 48 : i32
    }
    %scan3A_208 = arith.constant 32 : i32
    %add3A_209 = arith.constant 32 : i32
    %add3A_210 = arith.addi %mul3A_2, %add3A_209 : i32
    %dma_start3A_211 = arith.constant 0 : i32
    %dma_start3A_212 = arith.constant 32 : i32
    %dma_start3A_213 = arith.constant 0 : i32
    %dma_start3A_214 = tpu.memref_slice %arg5[%dma_start3A_212, %dma_start3A_213] : memref<128x768xf32, #tpu.memory_space<vmem>> -> memref<32x768xf32, #tpu.memory_space<vmem>>
    %dma_start3A_215 = arith.constant 0 : i32
    %dma_start3A_216 = tpu.memref_slice %arg4[%dma_start3A_211, %add3A_210, %dma_start3A_215] : memref<4x4096x768xf32, #tpu.memory_space<hbm>> -> memref<1x32x768xf32, #tpu.memory_space<hbm>>
    %dma_start3A_217 = tpu.memref_squeeze %dma_start3A_216 : memref<1x32x768xf32, #tpu.memory_space<hbm>> -> memref<32x768xf32, #tpu.memory_space<hbm>>
    %dma_start3A_218 = arith.constant 0 : i32
    %dma_start3A_219 = tpu.memref_slice %arg4[%dma_start3A_211, %add3A_210, %dma_start3A_218] : memref<4x4096x768xf32, #tpu.memory_space<hbm>> -> memref<1x32x768xf32, #tpu.memory_space<hbm>>
    %dma_start3A_220 = tpu.memref_squeeze %dma_start3A_219 : memref<1x32x768xf32, #tpu.memory_space<hbm>> -> memref<32x768xf32, #tpu.memory_space<hbm>>
    %dma_start3A_221 = arith.constant 32 : i32
    %dma_start3A_222 = arith.constant 0 : i32
    %dma_start3A_223 = tpu.memref_slice %arg5[%dma_start3A_221, %dma_start3A_222] : memref<128x768xf32, #tpu.memory_space<vmem>> -> memref<32x768xf32, #tpu.memory_space<vmem>>
    tpu.enqueue_dma source(%dma_start3A_223 : memref<32x768xf32, #tpu.memory_space<vmem>>) target(%dma_start3A_220 : memref<32x768xf32, #tpu.memory_space<hbm>>) target_semaphore(%arg9 : memref<!tpu.dma_semaphore, #tpu.memory_space<semaphore_mem>>)
    %add3A_224 = arith.constant 32 : i32
    %add3A_225 = arith.addi %mul3A_2, %add3A_224 : i32
    %dma_start3A_226 = arith.constant 1 : i32
    %dma_start3A_227 = arith.constant 32 : i32
    %dma_start3A_228 = arith.constant 0 : i32
    %dma_start3A_229 = tpu.memref_slice %arg5[%dma_start3A_227, %dma_start3A_228] : memref<128x768xf32, #tpu.memory_space<vmem>> -> memref<32x768xf32, #tpu.memory_space<vmem>>
    %dma_start3A_230 = arith.constant 0 : i32
    %dma_start3A_231 = tpu.memref_slice %arg4[%dma_start3A_226, %add3A_225, %dma_start3A_230] : memref<4x4096x768xf32, #tpu.memory_space<hbm>> -> memref<1x32x768xf32, #tpu.memory_space<hbm>>
    %dma_start3A_232 = tpu.memref_squeeze %dma_start3A_231 : memref<1x32x768xf32, #tpu.memory_space<hbm>> -> memref<32x768xf32, #tpu.memory_space<hbm>>
    %dma_start3A_233 = arith.constant 0 : i32
    %dma_start3A_234 = tpu.memref_slice %arg4[%dma_start3A_226, %add3A_225, %dma_start3A_233] : memref<4x4096x768xf32, #tpu.memory_space<hbm>> -> memref<1x32x768xf32, #tpu.memory_space<hbm>>
    %dma_start3A_235 = tpu.memref_squeeze %dma_start3A_234 : memref<1x32x768xf32, #tpu.memory_space<hbm>> -> memref<32x768xf32, #tpu.memory_space<hbm>>
    %dma_start3A_236 = arith.constant 32 : i32
    %dma_start3A_237 = arith.constant 0 : i32
    %dma_start3A_238 = tpu.memref_slice %arg5[%dma_start3A_236, %dma_start3A_237] : memref<128x768xf32, #tpu.memory_space<vmem>> -> memref<32x768xf32, #tpu.memory_space<vmem>>
    tpu.enqueue_dma source(%dma_start3A_238 : memref<32x768xf32, #tpu.memory_space<vmem>>) target(%dma_start3A_235 : memref<32x768xf32, #tpu.memory_space<hbm>>) target_semaphore(%arg9 : memref<!tpu.dma_semaphore, #tpu.memory_space<semaphore_mem>>)
    %add3A_239 = arith.constant 32 : i32
    %add3A_240 = arith.addi %mul3A_2, %add3A_239 : i32
    %dma_start3A_241 = arith.constant 2 : i32
    %dma_start3A_242 = arith.constant 32 : i32
    %dma_start3A_243 = arith.constant 0 : i32
    %dma_start3A_244 = tpu.memref_slice %arg5[%dma_start3A_242, %dma_start3A_243] : memref<128x768xf32, #tpu.memory_space<vmem>> -> memref<32x768xf32, #tpu.memory_space<vmem>>
    %dma_start3A_245 = arith.constant 0 : i32
    %dma_start3A_246 = tpu.memref_slice %arg4[%dma_start3A_241, %add3A_240, %dma_start3A_245] : memref<4x4096x768xf32, #tpu.memory_space<hbm>> -> memref<1x32x768xf32, #tpu.memory_space<hbm>>
    %dma_start3A_247 = tpu.memref_squeeze %dma_start3A_246 : memref<1x32x768xf32, #tpu.memory_space<hbm>> -> memref<32x768xf32, #tpu.memory_space<hbm>>
    %dma_start3A_248 = arith.constant 0 : i32
    %dma_start3A_249 = tpu.memref_slice %arg4[%dma_start3A_241, %add3A_240, %dma_start3A_248] : memref<4x4096x768xf32, #tpu.memory_space<hbm>> -> memref<1x32x768xf32, #tpu.memory_space<hbm>>
    %dma_start3A_250 = tpu.memref_squeeze %dma_start3A_249 : memref<1x32x768xf32, #tpu.memory_space<hbm>> -> memref<32x768xf32, #tpu.memory_space<hbm>>
    %dma_start3A_251 = arith.constant 32 : i32
    %dma_start3A_252 = arith.constant 0 : i32
    %dma_start3A_253 = tpu.memref_slice %arg5[%dma_start3A_251, %dma_start3A_252] : memref<128x768xf32, #tpu.memory_space<vmem>> -> memref<32x768xf32, #tpu.memory_space<vmem>>
    tpu.enqueue_dma source(%dma_start3A_253 : memref<32x768xf32, #tpu.memory_space<vmem>>) target(%dma_start3A_250 : memref<32x768xf32, #tpu.memory_space<hbm>>) target_semaphore(%arg9 : memref<!tpu.dma_semaphore, #tpu.memory_space<semaphore_mem>>)
    %add3A_254 = arith.constant 32 : i32
    %add3A_255 = arith.addi %mul3A_2, %add3A_254 : i32
    %dma_start3A_256 = arith.constant 3 : i32
    %dma_start3A_257 = arith.constant 32 : i32
    %dma_start3A_258 = arith.constant 0 : i32
    %dma_start3A_259 = tpu.memref_slice %arg5[%dma_start3A_257, %dma_start3A_258] : memref<128x768xf32, #tpu.memory_space<vmem>> -> memref<32x768xf32, #tpu.memory_space<vmem>>
    %dma_start3A_260 = arith.constant 0 : i32
    %dma_start3A_261 = tpu.memref_slice %arg4[%dma_start3A_256, %add3A_255, %dma_start3A_260] : memref<4x4096x768xf32, #tpu.memory_space<hbm>> -> memref<1x32x768xf32, #tpu.memory_space<hbm>>
    %dma_start3A_262 = tpu.memref_squeeze %dma_start3A_261 : memref<1x32x768xf32, #tpu.memory_space<hbm>> -> memref<32x768xf32, #tpu.memory_space<hbm>>
    %dma_start3A_263 = arith.constant 0 : i32
    %dma_start3A_264 = tpu.memref_slice %arg4[%dma_start3A_256, %add3A_255, %dma_start3A_263] : memref<4x4096x768xf32, #tpu.memory_space<hbm>> -> memref<1x32x768xf32, #tpu.memory_space<hbm>>
    %dma_start3A_265 = tpu.memref_squeeze %dma_start3A_264 : memref<1x32x768xf32, #tpu.memory_space<hbm>> -> memref<32x768xf32, #tpu.memory_space<hbm>>
    %dma_start3A_266 = arith.constant 32 : i32
    %dma_start3A_267 = arith.constant 0 : i32
    %dma_start3A_268 = tpu.memref_slice %arg5[%dma_start3A_266, %dma_start3A_267] : memref<128x768xf32, #tpu.memory_space<vmem>> -> memref<32x768xf32, #tpu.memory_space<vmem>>
    tpu.enqueue_dma source(%dma_start3A_268 : memref<32x768xf32, #tpu.memory_space<vmem>>) target(%dma_start3A_265 : memref<32x768xf32, #tpu.memory_space<hbm>>) target_semaphore(%arg9 : memref<!tpu.dma_semaphore, #tpu.memory_space<semaphore_mem>>)
    %dma_wait3A_269 = arith.constant 64 : i32
    %dma_wait3A_270 = arith.constant 0 : i32
    %dma_wait3A_271 = tpu.memref_slice %arg5[%dma_wait3A_269, %dma_wait3A_270] : memref<128x768xf32, #tpu.memory_space<vmem>> -> memref<32x768xf32, #tpu.memory_space<vmem>>
    %dma_wait3A_272 = arith.constant 64 : i32
    %dma_wait3A_273 = arith.constant 0 : i32
    %dma_wait3A_274 = tpu.memref_slice %arg7[%dma_wait3A_272, %dma_wait3A_273] : memref<128x768xf32, #tpu.memory_space<vmem_shared>> -> memref<32x768xf32, #tpu.memory_space<vmem_shared>>
    %dma_wait3A_275 = arith.constant 64 : i32
    %dma_wait3A_276 = arith.constant 0 : i32
    %dma_wait3A_277 = tpu.memref_slice %arg5[%dma_wait3A_275, %dma_wait3A_276] : memref<128x768xf32, #tpu.memory_space<vmem>> -> memref<32x768xf32, #tpu.memory_space<vmem>>
    %dma_wait3A_278 = arith.constant 64 : i32
    %dma_wait3A_279 = arith.constant 0 : i32
    %dma_wait3A_280 = tpu.memref_slice %arg7[%dma_wait3A_278, %dma_wait3A_279] : memref<128x768xf32, #tpu.memory_space<vmem_shared>> -> memref<32x768xf32, #tpu.memory_space<vmem_shared>>
    tpu.wait_dma2 semaphore(%arg8 : memref<!tpu.dma_semaphore, #tpu.memory_space<semaphore_mem>>) src(%dma_wait3A_280 : memref<32x768xf32, #tpu.memory_space<vmem_shared>>) dst(%dma_wait3A_277 : memref<32x768xf32, #tpu.memory_space<vmem>>)
    %scan3A_281 = arith.constant 0 : i32
    %scan3A_282 = arith.constant 64 : i32
    %scan3A_283 = arith.constant 32 : i32
    %scan3A_284 = arith.addi %scan3A_282, %scan3A_283 : i32
    %scan3A_285 = arith.constant 1 : i32
    scf.for %scan3A_633 = %scan3A_282 to %scan3A_284 step %scan3A_285  : i32 {
      %scan3A_634 = arith.constant 0 : i32
      %scan3A_635 = arith.constant 48 : i32
      %scan3A_636 = arith.addi %scan3A_634, %scan3A_635 : i32
      %scan3A_637 = arith.constant 8 : i32
      scf.for %scan3A_639 = %scan3A_634 to %scan3A_636 step %scan3A_637  : i32 {
        %mul3A_640 = arith.constant 16 : i32
        %mul3A_641 = arith.muli %scan3A_639, %mul3A_640 : i32
        %get3A = arith.index_cast %scan3A_633 : i32 to index
        %get3A_642 = arith.index_cast %mul3A_641 : i32 to index
        %get3A_643 = tpu.vector_load %arg5[%get3A, %get3A_642] {strides = array<i32>} : memref<128x768xf32, #tpu.memory_space<vmem>>, vector<1x16xf32>,
        %get3A_644 = vector.shape_cast %get3A_643 : vector<1x16xf32> to vector<16xf32>
        %get3A_645 = arith.constant 0 : i32
        %get3A_646 = arith.index_cast %get3A_645 : i32 to index
        %get3A_647 = arith.index_cast %mul3A_641 : i32 to index
        %get3A_648 = tpu.vector_load %arg6[%get3A_646, %get3A_647] {strides = array<i32>} : memref<1x768xf32, #tpu.memory_space<vmem>>, vector<1x16xf32>,
        %get3A_649 = vector.shape_cast %get3A_648 : vector<1x16xf32> to vector<16xf32>
        %add3A_650 = arith.addf %get3A_644, %get3A_649 : vector<16xf32>
        %swap3A = arith.index_cast %scan3A_633 : i32 to index
        %swap3A_651 = arith.index_cast %mul3A_641 : i32 to index
        %swap3A_652 = tpu.vector_load %arg5[%swap3A, %swap3A_651] {strides = array<i32>} : memref<128x768xf32, #tpu.memory_space<vmem>>, vector<1x16xf32>,
        %swap3A_653 = vector.shape_cast %swap3A_652 : vector<1x16xf32> to vector<16xf32>
        %swap3A_654 = vector.shape_cast %add3A_650 : vector<16xf32> to vector<1x16xf32>
        tpu.vector_store %arg5[%swap3A, %swap3A_651], %swap3A_654 {strides = array<i32>} : memref<128x768xf32, #tpu.memory_space<vmem>>, vector<1x16xf32>,
        %scan3A_655 = arith.constant 1 : i32
        %scan3A_656 = arith.addi %scan3A_639, %scan3A_655 : i32
        %mul3A_657 = arith.constant 16 : i32
        %mul3A_658 = arith.muli %scan3A_656, %mul3A_657 : i32
        %get3A_659 = arith.index_cast %scan3A_633 : i32 to index
        %get3A_660 = arith.index_cast %mul3A_658 : i32 to index
        %get3A_661 = tpu.vector_load %arg5[%get3A_659, %get3A_660] {strides = array<i32>} : memref<128x768xf32, #tpu.memory_space<vmem>>, vector<1x16xf32>,
        %get3A_662 = vector.shape_cast %get3A_661 : vector<1x16xf32> to vector<16xf32>
        %get3A_663 = arith.constant 0 : i32
        %get3A_664 = arith.index_cast %get3A_663 : i32 to index
        %get3A_665 = arith.index_cast %mul3A_658 : i32 to index
        %get3A_666 = tpu.vector_load %arg6[%get3A_664, %get3A_665] {strides = array<i32>} : memref<1x768xf32, #tpu.memory_space<vmem>>, vector<1x16xf32>,
        %get3A_667 = vector.shape_cast %get3A_666 : vector<1x16xf32> to vector<16xf32>
        %add3A_668 = arith.addf %get3A_662, %get3A_667 : vector<16xf32>
        %swap3A_669 = arith.index_cast %scan3A_633 : i32 to index
        %swap3A_670 = arith.index_cast %mul3A_658 : i32 to index
        %swap3A_671 = tpu.vector_load %arg5[%swap3A_669, %swap3A_670] {strides = array<i32>} : memref<128x768xf32, #tpu.memory_space<vmem>>, vector<1x16xf32>,
        %swap3A_672 = vector.shape_cast %swap3A_671 : vector<1x16xf32> to vector<16xf32>
        %swap3A_673 = vector.shape_cast %add3A_668 : vector<16xf32> to vector<1x16xf32>
        tpu.vector_store %arg5[%swap3A_669, %swap3A_670], %swap3A_673 {strides = array<i32>} : memref<128x768xf32, #tpu.memory_space<vmem>>, vector<1x16xf32>,
        %scan3A_674 = arith.constant 2 : i32
        %scan3A_675 = arith.addi %scan3A_639, %scan3A_674 : i32
        %mul3A_676 = arith.constant 16 : i32
        %mul3A_677 = arith.muli %scan3A_675, %mul3A_676 : i32
        %get3A_678 = arith.index_cast %scan3A_633 : i32 to index
        %get3A_679 = arith.index_cast %mul3A_677 : i32 to index
        %get3A_680 = tpu.vector_load %arg5[%get3A_678, %get3A_679] {strides = array<i32>} : memref<128x768xf32, #tpu.memory_space<vmem>>, vector<1x16xf32>,
        %get3A_681 = vector.shape_cast %get3A_680 : vector<1x16xf32> to vector<16xf32>
        %get3A_682 = arith.constant 0 : i32
        %get3A_683 = arith.index_cast %get3A_682 : i32 to index
        %get3A_684 = arith.index_cast %mul3A_677 : i32 to index
        %get3A_685 = tpu.vector_load %arg6[%get3A_683, %get3A_684] {strides = array<i32>} : memref<1x768xf32, #tpu.memory_space<vmem>>, vector<1x16xf32>,
        %get3A_686 = vector.shape_cast %get3A_685 : vector<1x16xf32> to vector<16xf32>
        %add3A_687 = arith.addf %get3A_681, %get3A_686 : vector<16xf32>
        %swap3A_688 = arith.index_cast %scan3A_633 : i32 to index
        %swap3A_689 = arith.index_cast %mul3A_677 : i32 to index
        %swap3A_690 = tpu.vector_load %arg5[%swap3A_688, %swap3A_689] {strides = array<i32>} : memref<128x768xf32, #tpu.memory_space<vmem>>, vector<1x16xf32>,
        %swap3A_691 = vector.shape_cast %swap3A_690 : vector<1x16xf32> to vector<16xf32>
        %swap3A_692 = vector.shape_cast %add3A_687 : vector<16xf32> to vector<1x16xf32>
        tpu.vector_store %arg5[%swap3A_688, %swap3A_689], %swap3A_692 {strides = array<i32>} : memref<128x768xf32, #tpu.memory_space<vmem>>, vector<1x16xf32>,
        %scan3A_693 = arith.constant 3 : i32
        %scan3A_694 = arith.addi %scan3A_639, %scan3A_693 : i32
        %mul3A_695 = arith.constant 16 : i32
        %mul3A_696 = arith.muli %scan3A_694, %mul3A_695 : i32
        %get3A_697 = arith.index_cast %scan3A_633 : i32 to index
        %get3A_698 = arith.index_cast %mul3A_696 : i32 to index
        %get3A_699 = tpu.vector_load %arg5[%get3A_697, %get3A_698] {strides = array<i32>} : memref<128x768xf32, #tpu.memory_space<vmem>>, vector<1x16xf32>,
        %get3A_700 = vector.shape_cast %get3A_699 : vector<1x16xf32> to vector<16xf32>
        %get3A_701 = arith.constant 0 : i32
        %get3A_702 = arith.index_cast %get3A_701 : i32 to index
        %get3A_703 = arith.index_cast %mul3A_696 : i32 to index
        %get3A_704 = tpu.vector_load %arg6[%get3A_702, %get3A_703] {strides = array<i32>} : memref<1x768xf32, #tpu.memory_space<vmem>>, vector<1x16xf32>,
        %get3A_705 = vector.shape_cast %get3A_704 : vector<1x16xf32> to vector<16xf32>
        %add3A_706 = arith.addf %get3A_700, %get3A_705 : vector<16xf32>
        %swap3A_707 = arith.index_cast %scan3A_633 : i32 to index
        %swap3A_708 = arith.index_cast %mul3A_696 : i32 to index
        %swap3A_709 = tpu.vector_load %arg5[%swap3A_707, %swap3A_708] {strides = array<i32>} : memref<128x768xf32, #tpu.memory_space<vmem>>, vector<1x16xf32>,
        %swap3A_710 = vector.shape_cast %swap3A_709 : vector<1x16xf32> to vector<16xf32>
        %swap3A_711 = vector.shape_cast %add3A_706 : vector<16xf32> to vector<1x16xf32>
        tpu.vector_store %arg5[%swap3A_707, %swap3A_708], %swap3A_711 {strides = array<i32>} : memref<128x768xf32, #tpu.memory_space<vmem>>, vector<1x16xf32>,
        %scan3A_712 = arith.constant 4 : i32
        %scan3A_713 = arith.addi %scan3A_639, %scan3A_712 : i32
        %mul3A_714 = arith.constant 16 : i32
        %mul3A_715 = arith.muli %scan3A_713, %mul3A_714 : i32
        %get3A_716 = arith.index_cast %scan3A_633 : i32 to index
        %get3A_717 = arith.index_cast %mul3A_715 : i32 to index
        %get3A_718 = tpu.vector_load %arg5[%get3A_716, %get3A_717] {strides = array<i32>} : memref<128x768xf32, #tpu.memory_space<vmem>>, vector<1x16xf32>,
        %get3A_719 = vector.shape_cast %get3A_718 : vector<1x16xf32> to vector<16xf32>
        %get3A_720 = arith.constant 0 : i32
        %get3A_721 = arith.index_cast %get3A_720 : i32 to index
        %get3A_722 = arith.index_cast %mul3A_715 : i32 to index
        %get3A_723 = tpu.vector_load %arg6[%get3A_721, %get3A_722] {strides = array<i32>} : memref<1x768xf32, #tpu.memory_space<vmem>>, vector<1x16xf32>,
        %get3A_724 = vector.shape_cast %get3A_723 : vector<1x16xf32> to vector<16xf32>
        %add3A_725 = arith.addf %get3A_719, %get3A_724 : vector<16xf32>
        %swap3A_726 = arith.index_cast %scan3A_633 : i32 to index
        %swap3A_727 = arith.index_cast %mul3A_715 : i32 to index
        %swap3A_728 = tpu.vector_load %arg5[%swap3A_726, %swap3A_727] {strides = array<i32>} : memref<128x768xf32, #tpu.memory_space<vmem>>, vector<1x16xf32>,
        %swap3A_729 = vector.shape_cast %swap3A_728 : vector<1x16xf32> to vector<16xf32>
        %swap3A_730 = vector.shape_cast %add3A_725 : vector<16xf32> to vector<1x16xf32>
        tpu.vector_store %arg5[%swap3A_726, %swap3A_727], %swap3A_730 {strides = array<i32>} : memref<128x768xf32, #tpu.memory_space<vmem>>, vector<1x16xf32>,
        %scan3A_731 = arith.constant 5 : i32
        %scan3A_732 = arith.addi %scan3A_639, %scan3A_731 : i32
        %mul3A_733 = arith.constant 16 : i32
        %mul3A_734 = arith.muli %scan3A_732, %mul3A_733 : i32
        %get3A_735 = arith.index_cast %scan3A_633 : i32 to index
        %get3A_736 = arith.index_cast %mul3A_734 : i32 to index
        %get3A_737 = tpu.vector_load %arg5[%get3A_735, %get3A_736] {strides = array<i32>} : memref<128x768xf32, #tpu.memory_space<vmem>>, vector<1x16xf32>,
        %get3A_738 = vector.shape_cast %get3A_737 : vector<1x16xf32> to vector<16xf32>
        %get3A_739 = arith.constant 0 : i32
        %get3A_740 = arith.index_cast %get3A_739 : i32 to index
        %get3A_741 = arith.index_cast %mul3A_734 : i32 to index
        %get3A_742 = tpu.vector_load %arg6[%get3A_740, %get3A_741] {strides = array<i32>} : memref<1x768xf32, #tpu.memory_space<vmem>>, vector<1x16xf32>,
        %get3A_743 = vector.shape_cast %get3A_742 : vector<1x16xf32> to vector<16xf32>
        %add3A_744 = arith.addf %get3A_738, %get3A_743 : vector<16xf32>
        %swap3A_745 = arith.index_cast %scan3A_633 : i32 to index
        %swap3A_746 = arith.index_cast %mul3A_734 : i32 to index
        %swap3A_747 = tpu.vector_load %arg5[%swap3A_745, %swap3A_746] {strides = array<i32>} : memref<128x768xf32, #tpu.memory_space<vmem>>, vector<1x16xf32>,
        %swap3A_748 = vector.shape_cast %swap3A_747 : vector<1x16xf32> to vector<16xf32>
        %swap3A_749 = vector.shape_cast %add3A_744 : vector<16xf32> to vector<1x16xf32>
        tpu.vector_store %arg5[%swap3A_745, %swap3A_746], %swap3A_749 {strides = array<i32>} : memref<128x768xf32, #tpu.memory_space<vmem>>, vector<1x16xf32>,
        %scan3A_750 = arith.constant 6 : i32
        %scan3A_751 = arith.addi %scan3A_639, %scan3A_750 : i32
        %mul3A_752 = arith.constant 16 : i32
        %mul3A_753 = arith.muli %scan3A_751, %mul3A_752 : i32
        %get3A_754 = arith.index_cast %scan3A_633 : i32 to index
        %get3A_755 = arith.index_cast %mul3A_753 : i32 to index
        %get3A_756 = tpu.vector_load %arg5[%get3A_754, %get3A_755] {strides = array<i32>} : memref<128x768xf32, #tpu.memory_space<vmem>>, vector<1x16xf32>,
        %get3A_757 = vector.shape_cast %get3A_756 : vector<1x16xf32> to vector<16xf32>
        %get3A_758 = arith.constant 0 : i32
        %get3A_759 = arith.index_cast %get3A_758 : i32 to index
        %get3A_760 = arith.index_cast %mul3A_753 : i32 to index
        %get3A_761 = tpu.vector_load %arg6[%get3A_759, %get3A_760] {strides = array<i32>} : memref<1x768xf32, #tpu.memory_space<vmem>>, vector<1x16xf32>,
        %get3A_762 = vector.shape_cast %get3A_761 : vector<1x16xf32> to vector<16xf32>
        %add3A_763 = arith.addf %get3A_757, %get3A_762 : vector<16xf32>
        %swap3A_764 = arith.index_cast %scan3A_633 : i32 to index
        %swap3A_765 = arith.index_cast %mul3A_753 : i32 to index
        %swap3A_766 = tpu.vector_load %arg5[%swap3A_764, %swap3A_765] {strides = array<i32>} : memref<128x768xf32, #tpu.memory_space<vmem>>, vector<1x16xf32>,
        %swap3A_767 = vector.shape_cast %swap3A_766 : vector<1x16xf32> to vector<16xf32>
        %swap3A_768 = vector.shape_cast %add3A_763 : vector<16xf32> to vector<1x16xf32>
        tpu.vector_store %arg5[%swap3A_764, %swap3A_765], %swap3A_768 {strides = array<i32>} : memref<128x768xf32, #tpu.memory_space<vmem>>, vector<1x16xf32>,
        %scan3A_769 = arith.constant 7 : i32
        %scan3A_770 = arith.addi %scan3A_639, %scan3A_769 : i32
        %mul3A_771 = arith.constant 16 : i32
        %mul3A_772 = arith.muli %scan3A_770, %mul3A_771 : i32
        %get3A_773 = arith.index_cast %scan3A_633 : i32 to index
        %get3A_774 = arith.index_cast %mul3A_772 : i32 to index
        %get3A_775 = tpu.vector_load %arg5[%get3A_773, %get3A_774] {strides = array<i32>} : memref<128x768xf32, #tpu.memory_space<vmem>>, vector<1x16xf32>,
        %get3A_776 = vector.shape_cast %get3A_775 : vector<1x16xf32> to vector<16xf32>
        %get3A_777 = arith.constant 0 : i32
        %get3A_778 = arith.index_cast %get3A_777 : i32 to index
        %get3A_779 = arith.index_cast %mul3A_772 : i32 to index
        %get3A_780 = tpu.vector_load %arg6[%get3A_778, %get3A_779] {strides = array<i32>} : memref<1x768xf32, #tpu.memory_space<vmem>>, vector<1x16xf32>,
        %get3A_781 = vector.shape_cast %get3A_780 : vector<1x16xf32> to vector<16xf32>
        %add3A_782 = arith.addf %get3A_776, %get3A_781 : vector<16xf32>
        %swap3A_783 = arith.index_cast %scan3A_633 : i32 to index
        %swap3A_784 = arith.index_cast %mul3A_772 : i32 to index
        %swap3A_785 = tpu.vector_load %arg5[%swap3A_783, %swap3A_784] {strides = array<i32>} : memref<128x768xf32, #tpu.memory_space<vmem>>, vector<1x16xf32>,
        %swap3A_786 = vector.shape_cast %swap3A_785 : vector<1x16xf32> to vector<16xf32>
        %swap3A_787 = vector.shape_cast %add3A_782 : vector<16xf32> to vector<1x16xf32>
        tpu.vector_store %arg5[%swap3A_783, %swap3A_784], %swap3A_787 {strides = array<i32>} : memref<128x768xf32, #tpu.memory_space<vmem>>, vector<1x16xf32>,
      }
      %scan3A_638 = arith.constant 48 : i32
    }
    %scan3A_286 = arith.constant 32 : i32
    %add3A_287 = arith.constant 64 : i32
    %add3A_288 = arith.addi %mul3A_2, %add3A_287 : i32
    %dma_start3A_289 = arith.constant 0 : i32
    %dma_start3A_290 = arith.constant 64 : i32
    %dma_start3A_291 = arith.constant 0 : i32
    %dma_start3A_292 = tpu.memref_slice %arg5[%dma_start3A_290, %dma_start3A_291] : memref<128x768xf32, #tpu.memory_space<vmem>> -> memref<32x768xf32, #tpu.memory_space<vmem>>
    %dma_start3A_293 = arith.constant 0 : i32
    %dma_start3A_294 = tpu.memref_slice %arg4[%dma_start3A_289, %add3A_288, %dma_start3A_293] : memref<4x4096x768xf32, #tpu.memory_space<hbm>> -> memref<1x32x768xf32, #tpu.memory_space<hbm>>
    %dma_start3A_295 = tpu.memref_squeeze %dma_start3A_294 : memref<1x32x768xf32, #tpu.memory_space<hbm>> -> memref<32x768xf32, #tpu.memory_space<hbm>>
    %dma_start3A_296 = arith.constant 0 : i32
    %dma_start3A_297 = tpu.memref_slice %arg4[%dma_start3A_289, %add3A_288, %dma_start3A_296] : memref<4x4096x768xf32, #tpu.memory_space<hbm>> -> memref<1x32x768xf32, #tpu.memory_space<hbm>>
    %dma_start3A_298 = tpu.memref_squeeze %dma_start3A_297 : memref<1x32x768xf32, #tpu.memory_space<hbm>> -> memref<32x768xf32, #tpu.memory_space<hbm>>
    %dma_start3A_299 = arith.constant 64 : i32
    %dma_start3A_300 = arith.constant 0 : i32
    %dma_start3A_301 = tpu.memref_slice %arg5[%dma_start3A_299, %dma_start3A_300] : memref<128x768xf32, #tpu.memory_space<vmem>> -> memref<32x768xf32, #tpu.memory_space<vmem>>
    tpu.enqueue_dma source(%dma_start3A_301 : memref<32x768xf32, #tpu.memory_space<vmem>>) target(%dma_start3A_298 : memref<32x768xf32, #tpu.memory_space<hbm>>) target_semaphore(%arg9 : memref<!tpu.dma_semaphore, #tpu.memory_space<semaphore_mem>>)
    %add3A_302 = arith.constant 64 : i32
    %add3A_303 = arith.addi %mul3A_2, %add3A_302 : i32
    %dma_start3A_304 = arith.constant 1 : i32
    %dma_start3A_305 = arith.constant 64 : i32
    %dma_start3A_306 = arith.constant 0 : i32
    %dma_start3A_307 = tpu.memref_slice %arg5[%dma_start3A_305, %dma_start3A_306] : memref<128x768xf32, #tpu.memory_space<vmem>> -> memref<32x768xf32, #tpu.memory_space<vmem>>
    %dma_start3A_308 = arith.constant 0 : i32
    %dma_start3A_309 = tpu.memref_slice %arg4[%dma_start3A_304, %add3A_303, %dma_start3A_308] : memref<4x4096x768xf32, #tpu.memory_space<hbm>> -> memref<1x32x768xf32, #tpu.memory_space<hbm>>
    %dma_start3A_310 = tpu.memref_squeeze %dma_start3A_309 : memref<1x32x768xf32, #tpu.memory_space<hbm>> -> memref<32x768xf32, #tpu.memory_space<hbm>>
    %dma_start3A_311 = arith.constant 0 : i32
    %dma_start3A_312 = tpu.memref_slice %arg4[%dma_start3A_304, %add3A_303, %dma_start3A_311] : memref<4x4096x768xf32, #tpu.memory_space<hbm>> -> memref<1x32x768xf32, #tpu.memory_space<hbm>>
    %dma_start3A_313 = tpu.memref_squeeze %dma_start3A_312 : memref<1x32x768xf32, #tpu.memory_space<hbm>> -> memref<32x768xf32, #tpu.memory_space<hbm>>
    %dma_start3A_314 = arith.constant 64 : i32
    %dma_start3A_315 = arith.constant 0 : i32
    %dma_start3A_316 = tpu.memref_slice %arg5[%dma_start3A_314, %dma_start3A_315] : memref<128x768xf32, #tpu.memory_space<vmem>> -> memref<32x768xf32, #tpu.memory_space<vmem>>
    tpu.enqueue_dma source(%dma_start3A_316 : memref<32x768xf32, #tpu.memory_space<vmem>>) target(%dma_start3A_313 : memref<32x768xf32, #tpu.memory_space<hbm>>) target_semaphore(%arg9 : memref<!tpu.dma_semaphore, #tpu.memory_space<semaphore_mem>>)
    %add3A_317 = arith.constant 64 : i32
    %add3A_318 = arith.addi %mul3A_2, %add3A_317 : i32
    %dma_start3A_319 = arith.constant 2 : i32
    %dma_start3A_320 = arith.constant 64 : i32
    %dma_start3A_321 = arith.constant 0 : i32
    %dma_start3A_322 = tpu.memref_slice %arg5[%dma_start3A_320, %dma_start3A_321] : memref<128x768xf32, #tpu.memory_space<vmem>> -> memref<32x768xf32, #tpu.memory_space<vmem>>
    %dma_start3A_323 = arith.constant 0 : i32
    %dma_start3A_324 = tpu.memref_slice %arg4[%dma_start3A_319, %add3A_318, %dma_start3A_323] : memref<4x4096x768xf32, #tpu.memory_space<hbm>> -> memref<1x32x768xf32, #tpu.memory_space<hbm>>
    %dma_start3A_325 = tpu.memref_squeeze %dma_start3A_324 : memref<1x32x768xf32, #tpu.memory_space<hbm>> -> memref<32x768xf32, #tpu.memory_space<hbm>>
    %dma_start3A_326 = arith.constant 0 : i32
    %dma_start3A_327 = tpu.memref_slice %arg4[%dma_start3A_319, %add3A_318, %dma_start3A_326] : memref<4x4096x768xf32, #tpu.memory_space<hbm>> -> memref<1x32x768xf32, #tpu.memory_space<hbm>>
    %dma_start3A_328 = tpu.memref_squeeze %dma_start3A_327 : memref<1x32x768xf32, #tpu.memory_space<hbm>> -> memref<32x768xf32, #tpu.memory_space<hbm>>
    %dma_start3A_329 = arith.constant 64 : i32
    %dma_start3A_330 = arith.constant 0 : i32
    %dma_start3A_331 = tpu.memref_slice %arg5[%dma_start3A_329, %dma_start3A_330] : memref<128x768xf32, #tpu.memory_space<vmem>> -> memref<32x768xf32, #tpu.memory_space<vmem>>
    tpu.enqueue_dma source(%dma_start3A_331 : memref<32x768xf32, #tpu.memory_space<vmem>>) target(%dma_start3A_328 : memref<32x768xf32, #tpu.memory_space<hbm>>) target_semaphore(%arg9 : memref<!tpu.dma_semaphore, #tpu.memory_space<semaphore_mem>>)
    %add3A_332 = arith.constant 64 : i32
    %add3A_333 = arith.addi %mul3A_2, %add3A_332 : i32
    %dma_start3A_334 = arith.constant 3 : i32
    %dma_start3A_335 = arith.constant 64 : i32
    %dma_start3A_336 = arith.constant 0 : i32
    %dma_start3A_337 = tpu.memref_slice %arg5[%dma_start3A_335, %dma_start3A_336] : memref<128x768xf32, #tpu.memory_space<vmem>> -> memref<32x768xf32, #tpu.memory_space<vmem>>
    %dma_start3A_338 = arith.constant 0 : i32
    %dma_start3A_339 = tpu.memref_slice %arg4[%dma_start3A_334, %add3A_333, %dma_start3A_338] : memref<4x4096x768xf32, #tpu.memory_space<hbm>> -> memref<1x32x768xf32, #tpu.memory_space<hbm>>
    %dma_start3A_340 = tpu.memref_squeeze %dma_start3A_339 : memref<1x32x768xf32, #tpu.memory_space<hbm>> -> memref<32x768xf32, #tpu.memory_space<hbm>>
    %dma_start3A_341 = arith.constant 0 : i32
    %dma_start3A_342 = tpu.memref_slice %arg4[%dma_start3A_334, %add3A_333, %dma_start3A_341] : memref<4x4096x768xf32, #tpu.memory_space<hbm>> -> memref<1x32x768xf32, #tpu.memory_space<hbm>>
    %dma_start3A_343 = tpu.memref_squeeze %dma_start3A_342 : memref<1x32x768xf32, #tpu.memory_space<hbm>> -> memref<32x768xf32, #tpu.memory_space<hbm>>
    %dma_start3A_344 = arith.constant 64 : i32
    %dma_start3A_345 = arith.constant 0 : i32
    %dma_start3A_346 = tpu.memref_slice %arg5[%dma_start3A_344, %dma_start3A_345] : memref<128x768xf32, #tpu.memory_space<vmem>> -> memref<32x768xf32, #tpu.memory_space<vmem>>
    tpu.enqueue_dma source(%dma_start3A_346 : memref<32x768xf32, #tpu.memory_space<vmem>>) target(%dma_start3A_343 : memref<32x768xf32, #tpu.memory_space<hbm>>) target_semaphore(%arg9 : memref<!tpu.dma_semaphore, #tpu.memory_space<semaphore_mem>>)
    %dma_wait3A_347 = arith.constant 96 : i32
    %dma_wait3A_348 = arith.constant 0 : i32
    %dma_wait3A_349 = tpu.memref_slice %arg5[%dma_wait3A_347, %dma_wait3A_348] : memref<128x768xf32, #tpu.memory_space<vmem>> -> memref<32x768xf32, #tpu.memory_space<vmem>>
    %dma_wait3A_350 = arith.constant 96 : i32
    %dma_wait3A_351 = arith.constant 0 : i32
    %dma_wait3A_352 = tpu.memref_slice %arg7[%dma_wait3A_350, %dma_wait3A_351] : memref<128x768xf32, #tpu.memory_space<vmem_shared>> -> memref<32x768xf32, #tpu.memory_space<vmem_shared>>
    %dma_wait3A_353 = arith.constant 96 : i32
    %dma_wait3A_354 = arith.constant 0 : i32
    %dma_wait3A_355 = tpu.memref_slice %arg5[%dma_wait3A_353, %dma_wait3A_354] : memref<128x768xf32, #tpu.memory_space<vmem>> -> memref<32x768xf32, #tpu.memory_space<vmem>>
    %dma_wait3A_356 = arith.constant 96 : i32
    %dma_wait3A_357 = arith.constant 0 : i32
    %dma_wait3A_358 = tpu.memref_slice %arg7[%dma_wait3A_356, %dma_wait3A_357] : memref<128x768xf32, #tpu.memory_space<vmem_shared>> -> memref<32x768xf32, #tpu.memory_space<vmem_shared>>
    tpu.wait_dma2 semaphore(%arg8 : memref<!tpu.dma_semaphore, #tpu.memory_space<semaphore_mem>>) src(%dma_wait3A_358 : memref<32x768xf32, #tpu.memory_space<vmem_shared>>) dst(%dma_wait3A_355 : memref<32x768xf32, #tpu.memory_space<vmem>>)
    %scan3A_359 = arith.constant 0 : i32
    %scan3A_360 = arith.constant 96 : i32
    %scan3A_361 = arith.constant 32 : i32
    %scan3A_362 = arith.addi %scan3A_360, %scan3A_361 : i32
    %scan3A_363 = arith.constant 1 : i32
    scf.for %scan3A_633 = %scan3A_360 to %scan3A_362 step %scan3A_363  : i32 {
      %scan3A_634 = arith.constant 0 : i32
      %scan3A_635 = arith.constant 48 : i32
      %scan3A_636 = arith.addi %scan3A_634, %scan3A_635 : i32
      %scan3A_637 = arith.constant 8 : i32
      scf.for %scan3A_639 = %scan3A_634 to %scan3A_636 step %scan3A_637  : i32 {
        %mul3A_640 = arith.constant 16 : i32
        %mul3A_641 = arith.muli %scan3A_639, %mul3A_640 : i32
        %get3A = arith.index_cast %scan3A_633 : i32 to index
        %get3A_642 = arith.index_cast %mul3A_641 : i32 to index
        %get3A_643 = tpu.vector_load %arg5[%get3A, %get3A_642] {strides = array<i32>} : memref<128x768xf32, #tpu.memory_space<vmem>>, vector<1x16xf32>,
        %get3A_644 = vector.shape_cast %get3A_643 : vector<1x16xf32> to vector<16xf32>
        %get3A_645 = arith.constant 0 : i32
        %get3A_646 = arith.index_cast %get3A_645 : i32 to index
        %get3A_647 = arith.index_cast %mul3A_641 : i32 to index
        %get3A_648 = tpu.vector_load %arg6[%get3A_646, %get3A_647] {strides = array<i32>} : memref<1x768xf32, #tpu.memory_space<vmem>>, vector<1x16xf32>,
        %get3A_649 = vector.shape_cast %get3A_648 : vector<1x16xf32> to vector<16xf32>
        %add3A_650 = arith.addf %get3A_644, %get3A_649 : vector<16xf32>
        %swap3A = arith.index_cast %scan3A_633 : i32 to index
        %swap3A_651 = arith.index_cast %mul3A_641 : i32 to index
        %swap3A_652 = tpu.vector_load %arg5[%swap3A, %swap3A_651] {strides = array<i32>} : memref<128x768xf32, #tpu.memory_space<vmem>>, vector<1x16xf32>,
        %swap3A_653 = vector.shape_cast %swap3A_652 : vector<1x16xf32> to vector<16xf32>
        %swap3A_654 = vector.shape_cast %add3A_650 : vector<16xf32> to vector<1x16xf32>
        tpu.vector_store %arg5[%swap3A, %swap3A_651], %swap3A_654 {strides = array<i32>} : memref<128x768xf32, #tpu.memory_space<vmem>>, vector<1x16xf32>,
        %scan3A_655 = arith.constant 1 : i32
        %scan3A_656 = arith.addi %scan3A_639, %scan3A_655 : i32
        %mul3A_657 = arith.constant 16 : i32
        %mul3A_658 = arith.muli %scan3A_656, %mul3A_657 : i32
        %get3A_659 = arith.index_cast %scan3A_633 : i32 to index
        %get3A_660 = arith.index_cast %mul3A_658 : i32 to index
        %get3A_661 = tpu.vector_load %arg5[%get3A_659, %get3A_660] {strides = array<i32>} : memref<128x768xf32, #tpu.memory_space<vmem>>, vector<1x16xf32>,
        %get3A_662 = vector.shape_cast %get3A_661 : vector<1x16xf32> to vector<16xf32>
        %get3A_663 = arith.constant 0 : i32
        %get3A_664 = arith.index_cast %get3A_663 : i32 to index
        %get3A_665 = arith.index_cast %mul3A_658 : i32 to index
        %get3A_666 = tpu.vector_load %arg6[%get3A_664, %get3A_665] {strides = array<i32>} : memref<1x768xf32, #tpu.memory_space<vmem>>, vector<1x16xf32>,
        %get3A_667 = vector.shape_cast %get3A_666 : vector<1x16xf32> to vector<16xf32>
        %add3A_668 = arith.addf %get3A_662, %get3A_667 : vector<16xf32>
        %swap3A_669 = arith.index_cast %scan3A_633 : i32 to index
        %swap3A_670 = arith.index_cast %mul3A_658 : i32 to index
        %swap3A_671 = tpu.vector_load %arg5[%swap3A_669, %swap3A_670] {strides = array<i32>} : memref<128x768xf32, #tpu.memory_space<vmem>>, vector<1x16xf32>,
        %swap3A_672 = vector.shape_cast %swap3A_671 : vector<1x16xf32> to vector<16xf32>
        %swap3A_673 = vector.shape_cast %add3A_668 : vector<16xf32> to vector<1x16xf32>
        tpu.vector_store %arg5[%swap3A_669, %swap3A_670], %swap3A_673 {strides = array<i32>} : memref<128x768xf32, #tpu.memory_space<vmem>>, vector<1x16xf32>,
        %scan3A_674 = arith.constant 2 : i32
        %scan3A_675 = arith.addi %scan3A_639, %scan3A_674 : i32
        %mul3A_676 = arith.constant 16 : i32
        %mul3A_677 = arith.muli %scan3A_675, %mul3A_676 : i32
        %get3A_678 = arith.index_cast %scan3A_633 : i32 to index
        %get3A_679 = arith.index_cast %mul3A_677 : i32 to index
        %get3A_680 = tpu.vector_load %arg5[%get3A_678, %get3A_679] {strides = array<i32>} : memref<128x768xf32, #tpu.memory_space<vmem>>, vector<1x16xf32>,
        %get3A_681 = vector.shape_cast %get3A_680 : vector<1x16xf32> to vector<16xf32>
        %get3A_682 = arith.constant 0 : i32
        %get3A_683 = arith.index_cast %get3A_682 : i32 to index
        %get3A_684 = arith.index_cast %mul3A_677 : i32 to index
        %get3A_685 = tpu.vector_load %arg6[%get3A_683, %get3A_684] {strides = array<i32>} : memref<1x768xf32, #tpu.memory_space<vmem>>, vector<1x16xf32>,
        %get3A_686 = vector.shape_cast %get3A_685 : vector<1x16xf32> to vector<16xf32>
        %add3A_687 = arith.addf %get3A_681, %get3A_686 : vector<16xf32>
        %swap3A_688 = arith.index_cast %scan3A_633 : i32 to index
        %swap3A_689 = arith.index_cast %mul3A_677 : i32 to index
        %swap3A_690 = tpu.vector_load %arg5[%swap3A_688, %swap3A_689] {strides = array<i32>} : memref<128x768xf32, #tpu.memory_space<vmem>>, vector<1x16xf32>,
        %swap3A_691 = vector.shape_cast %swap3A_690 : vector<1x16xf32> to vector<16xf32>
        %swap3A_692 = vector.shape_cast %add3A_687 : vector<16xf32> to vector<1x16xf32>
        tpu.vector_store %arg5[%swap3A_688, %swap3A_689], %swap3A_692 {strides = array<i32>} : memref<128x768xf32, #tpu.memory_space<vmem>>, vector<1x16xf32>,
        %scan3A_693 = arith.constant 3 : i32
        %scan3A_694 = arith.addi %scan3A_639, %scan3A_693 : i32
        %mul3A_695 = arith.constant 16 : i32
        %mul3A_696 = arith.muli %scan3A_694, %mul3A_695 : i32
        %get3A_697 = arith.index_cast %scan3A_633 : i32 to index
        %get3A_698 = arith.index_cast %mul3A_696 : i32 to index
        %get3A_699 = tpu.vector_load %arg5[%get3A_697, %get3A_698] {strides = array<i32>} : memref<128x768xf32, #tpu.memory_space<vmem>>, vector<1x16xf32>,
        %get3A_700 = vector.shape_cast %get3A_699 : vector<1x16xf32> to vector<16xf32>
        %get3A_701 = arith.constant 0 : i32
        %get3A_702 = arith.index_cast %get3A_701 : i32 to index
        %get3A_703 = arith.index_cast %mul3A_696 : i32 to index
        %get3A_704 = tpu.vector_load %arg6[%get3A_702, %get3A_703] {strides = array<i32>} : memref<1x768xf32, #tpu.memory_space<vmem>>, vector<1x16xf32>,
        %get3A_705 = vector.shape_cast %get3A_704 : vector<1x16xf32> to vector<16xf32>
        %add3A_706 = arith.addf %get3A_700, %get3A_705 : vector<16xf32>
        %swap3A_707 = arith.index_cast %scan3A_633 : i32 to index
        %swap3A_708 = arith.index_cast %mul3A_696 : i32 to index
        %swap3A_709 = tpu.vector_load %arg5[%swap3A_707, %swap3A_708] {strides = array<i32>} : memref<128x768xf32, #tpu.memory_space<vmem>>, vector<1x16xf32>,
        %swap3A_710 = vector.shape_cast %swap3A_709 : vector<1x16xf32> to vector<16xf32>
        %swap3A_711 = vector.shape_cast %add3A_706 : vector<16xf32> to vector<1x16xf32>
        tpu.vector_store %arg5[%swap3A_707, %swap3A_708], %swap3A_711 {strides = array<i32>} : memref<128x768xf32, #tpu.memory_space<vmem>>, vector<1x16xf32>,
        %scan3A_712 = arith.constant 4 : i32
        %scan3A_713 = arith.addi %scan3A_639, %scan3A_712 : i32
        %mul3A_714 = arith.constant 16 : i32
        %mul3A_715 = arith.muli %scan3A_713, %mul3A_714 : i32
        %get3A_716 = arith.index_cast %scan3A_633 : i32 to index
        %get3A_717 = arith.index_cast %mul3A_715 : i32 to index
        %get3A_718 = tpu.vector_load %arg5[%get3A_716, %get3A_717] {strides = array<i32>} : memref<128x768xf32, #tpu.memory_space<vmem>>, vector<1x16xf32>,
        %get3A_719 = vector.shape_cast %get3A_718 : vector<1x16xf32> to vector<16xf32>
        %get3A_720 = arith.constant 0 : i32
        %get3A_721 = arith.index_cast %get3A_720 : i32 to index
        %get3A_722 = arith.index_cast %mul3A_715 : i32 to index
        %get3A_723 = tpu.vector_load %arg6[%get3A_721, %get3A_722] {strides = array<i32>} : memref<1x768xf32, #tpu.memory_space<vmem>>, vector<1x16xf32>,
        %get3A_724 = vector.shape_cast %get3A_723 : vector<1x16xf32> to vector<16xf32>
        %add3A_725 = arith.addf %get3A_719, %get3A_724 : vector<16xf32>
        %swap3A_726 = arith.index_cast %scan3A_633 : i32 to index
        %swap3A_727 = arith.index_cast %mul3A_715 : i32 to index
        %swap3A_728 = tpu.vector_load %arg5[%swap3A_726, %swap3A_727] {strides = array<i32>} : memref<128x768xf32, #tpu.memory_space<vmem>>, vector<1x16xf32>,
        %swap3A_729 = vector.shape_cast %swap3A_728 : vector<1x16xf32> to vector<16xf32>
        %swap3A_730 = vector.shape_cast %add3A_725 : vector<16xf32> to vector<1x16xf32>
        tpu.vector_store %arg5[%swap3A_726, %swap3A_727], %swap3A_730 {strides = array<i32>} : memref<128x768xf32, #tpu.memory_space<vmem>>, vector<1x16xf32>,
        %scan3A_731 = arith.constant 5 : i32
        %scan3A_732 = arith.addi %scan3A_639, %scan3A_731 : i32
        %mul3A_733 = arith.constant 16 : i32
        %mul3A_734 = arith.muli %scan3A_732, %mul3A_733 : i32
        %get3A_735 = arith.index_cast %scan3A_633 : i32 to index
        %get3A_736 = arith.index_cast %mul3A_734 : i32 to index
        %get3A_737 = tpu.vector_load %arg5[%get3A_735, %get3A_736] {strides = array<i32>} : memref<128x768xf32, #tpu.memory_space<vmem>>, vector<1x16xf32>,
        %get3A_738 = vector.shape_cast %get3A_737 : vector<1x16xf32> to vector<16xf32>
        %get3A_739 = arith.constant 0 : i32
        %get3A_740 = arith.index_cast %get3A_739 : i32 to index
        %get3A_741 = arith.index_cast %mul3A_734 : i32 to index
        %get3A_742 = tpu.vector_load %arg6[%get3A_740, %get3A_741] {strides = array<i32>} : memref<1x768xf32, #tpu.memory_space<vmem>>, vector<1x16xf32>,
        %get3A_743 = vector.shape_cast %get3A_742 : vector<1x16xf32> to vector<16xf32>
        %add3A_744 = arith.addf %get3A_738, %get3A_743 : vector<16xf32>
        %swap3A_745 = arith.index_cast %scan3A_633 : i32 to index
        %swap3A_746 = arith.index_cast %mul3A_734 : i32 to index
        %swap3A_747 = tpu.vector_load %arg5[%swap3A_745, %swap3A_746] {strides = array<i32>} : memref<128x768xf32, #tpu.memory_space<vmem>>, vector<1x16xf32>,
        %swap3A_748 = vector.shape_cast %swap3A_747 : vector<1x16xf32> to vector<16xf32>
        %swap3A_749 = vector.shape_cast %add3A_744 : vector<16xf32> to vector<1x16xf32>
        tpu.vector_store %arg5[%swap3A_745, %swap3A_746], %swap3A_749 {strides = array<i32>} : memref<128x768xf32, #tpu.memory_space<vmem>>, vector<1x16xf32>,
        %scan3A_750 = arith.constant 6 : i32
        %scan3A_751 = arith.addi %scan3A_639, %scan3A_750 : i32
        %mul3A_752 = arith.constant 16 : i32
        %mul3A_753 = arith.muli %scan3A_751, %mul3A_752 : i32
        %get3A_754 = arith.index_cast %scan3A_633 : i32 to index
        %get3A_755 = arith.index_cast %mul3A_753 : i32 to index
        %get3A_756 = tpu.vector_load %arg5[%get3A_754, %get3A_755] {strides = array<i32>} : memref<128x768xf32, #tpu.memory_space<vmem>>, vector<1x16xf32>,
        %get3A_757 = vector.shape_cast %get3A_756 : vector<1x16xf32> to vector<16xf32>
        %get3A_758 = arith.constant 0 : i32
        %get3A_759 = arith.index_cast %get3A_758 : i32 to index
        %get3A_760 = arith.index_cast %mul3A_753 : i32 to index
        %get3A_761 = tpu.vector_load %arg6[%get3A_759, %get3A_760] {strides = array<i32>} : memref<1x768xf32, #tpu.memory_space<vmem>>, vector<1x16xf32>,
        %get3A_762 = vector.shape_cast %get3A_761 : vector<1x16xf32> to vector<16xf32>
        %add3A_763 = arith.addf %get3A_757, %get3A_762 : vector<16xf32>
        %swap3A_764 = arith.index_cast %scan3A_633 : i32 to index
        %swap3A_765 = arith.index_cast %mul3A_753 : i32 to index
        %swap3A_766 = tpu.vector_load %arg5[%swap3A_764, %swap3A_765] {strides = array<i32>} : memref<128x768xf32, #tpu.memory_space<vmem>>, vector<1x16xf32>,
        %swap3A_767 = vector.shape_cast %swap3A_766 : vector<1x16xf32> to vector<16xf32>
        %swap3A_768 = vector.shape_cast %add3A_763 : vector<16xf32> to vector<1x16xf32>
        tpu.vector_store %arg5[%swap3A_764, %swap3A_765], %swap3A_768 {strides = array<i32>} : memref<128x768xf32, #tpu.memory_space<vmem>>, vector<1x16xf32>,
        %scan3A_769 = arith.constant 7 : i32
        %scan3A_770 = arith.addi %scan3A_639, %scan3A_769 : i32
        %mul3A_771 = arith.constant 16 : i32
        %mul3A_772 = arith.muli %scan3A_770, %mul3A_771 : i32
        %get3A_773 = arith.index_cast %scan3A_633 : i32 to index
        %get3A_774 = arith.index_cast %mul3A_772 : i32 to index
        %get3A_775 = tpu.vector_load %arg5[%get3A_773, %get3A_774] {strides = array<i32>} : memref<128x768xf32, #tpu.memory_space<vmem>>, vector<1x16xf32>,
        %get3A_776 = vector.shape_cast %get3A_775 : vector<1x16xf32> to vector<16xf32>
        %get3A_777 = arith.constant 0 : i32
        %get3A_778 = arith.index_cast %get3A_777 : i32 to index
        %get3A_779 = arith.index_cast %mul3A_772 : i32 to index
        %get3A_780 = tpu.vector_load %arg6[%get3A_778, %get3A_779] {strides = array<i32>} : memref<1x768xf32, #tpu.memory_space<vmem>>, vector<1x16xf32>,
        %get3A_781 = vector.shape_cast %get3A_780 : vector<1x16xf32> to vector<16xf32>
        %add3A_782 = arith.addf %get3A_776, %get3A_781 : vector<16xf32>
        %swap3A_783 = arith.index_cast %scan3A_633 : i32 to index
        %swap3A_784 = arith.index_cast %mul3A_772 : i32 to index
        %swap3A_785 = tpu.vector_load %arg5[%swap3A_783, %swap3A_784] {strides = array<i32>} : memref<128x768xf32, #tpu.memory_space<vmem>>, vector<1x16xf32>,
        %swap3A_786 = vector.shape_cast %swap3A_785 : vector<1x16xf32> to vector<16xf32>
        %swap3A_787 = vector.shape_cast %add3A_782 : vector<16xf32> to vector<1x16xf32>
        tpu.vector_store %arg5[%swap3A_783, %swap3A_784], %swap3A_787 {strides = array<i32>} : memref<128x768xf32, #tpu.memory_space<vmem>>, vector<1x16xf32>,
      }
      %scan3A_638 = arith.constant 48 : i32
    }
    %scan3A_364 = arith.constant 32 : i32
    %add3A_365 = arith.constant 96 : i32
    %add3A_366 = arith.addi %mul3A_2, %add3A_365 : i32
    %dma_start3A_367 = arith.constant 0 : i32
    %dma_start3A_368 = arith.constant 96 : i32
    %dma_start3A_369 = arith.constant 0 : i32
    %dma_start3A_370 = tpu.memref_slice %arg5[%dma_start3A_368, %dma_start3A_369] : memref<128x768xf32, #tpu.memory_space<vmem>> -> memref<32x768xf32, #tpu.memory_space<vmem>>
    %dma_start3A_371 = arith.constant 0 : i32
    %dma_start3A_372 = tpu.memref_slice %arg4[%dma_start3A_367, %add3A_366, %dma_start3A_371] : memref<4x4096x768xf32, #tpu.memory_space<hbm>> -> memref<1x32x768xf32, #tpu.memory_space<hbm>>
    %dma_start3A_373 = tpu.memref_squeeze %dma_start3A_372 : memref<1x32x768xf32, #tpu.memory_space<hbm>> -> memref<32x768xf32, #tpu.memory_space<hbm>>
    %dma_start3A_374 = arith.constant 0 : i32
    %dma_start3A_375 = tpu.memref_slice %arg4[%dma_start3A_367, %add3A_366, %dma_start3A_374] : memref<4x4096x768xf32, #tpu.memory_space<hbm>> -> memref<1x32x768xf32, #tpu.memory_space<hbm>>
    %dma_start3A_376 = tpu.memref_squeeze %dma_start3A_375 : memref<1x32x768xf32, #tpu.memory_space<hbm>> -> memref<32x768xf32, #tpu.memory_space<hbm>>
    %dma_start3A_377 = arith.constant 96 : i32
    %dma_start3A_378 = arith.constant 0 : i32
    %dma_start3A_379 = tpu.memref_slice %arg5[%dma_start3A_377, %dma_start3A_378] : memref<128x768xf32, #tpu.memory_space<vmem>> -> memref<32x768xf32, #tpu.memory_space<vmem>>
    tpu.enqueue_dma source(%dma_start3A_379 : memref<32x768xf32, #tpu.memory_space<vmem>>) target(%dma_start3A_376 : memref<32x768xf32, #tpu.memory_space<hbm>>) target_semaphore(%arg9 : memref<!tpu.dma_semaphore, #tpu.memory_space<semaphore_mem>>)
    %add3A_380 = arith.constant 96 : i32
    %add3A_381 = arith.addi %mul3A_2, %add3A_380 : i32
    %dma_start3A_382 = arith.constant 1 : i32
    %dma_start3A_383 = arith.constant 96 : i32
    %dma_start3A_384 = arith.constant 0 : i32
    %dma_start3A_385 = tpu.memref_slice %arg5[%dma_start3A_383, %dma_start3A_384] : memref<128x768xf32, #tpu.memory_space<vmem>> -> memref<32x768xf32, #tpu.memory_space<vmem>>
    %dma_start3A_386 = arith.constant 0 : i32
    %dma_start3A_387 = tpu.memref_slice %arg4[%dma_start3A_382, %add3A_381, %dma_start3A_386] : memref<4x4096x768xf32, #tpu.memory_space<hbm>> -> memref<1x32x768xf32, #tpu.memory_space<hbm>>
    %dma_start3A_388 = tpu.memref_squeeze %dma_start3A_387 : memref<1x32x768xf32, #tpu.memory_space<hbm>> -> memref<32x768xf32, #tpu.memory_space<hbm>>
    %dma_start3A_389 = arith.constant 0 : i32
    %dma_start3A_390 = tpu.memref_slice %arg4[%dma_start3A_382, %add3A_381, %dma_start3A_389] : memref<4x4096x768xf32, #tpu.memory_space<hbm>> -> memref<1x32x768xf32, #tpu.memory_space<hbm>>
    %dma_start3A_391 = tpu.memref_squeeze %dma_start3A_390 : memref<1x32x768xf32, #tpu.memory_space<hbm>> -> memref<32x768xf32, #tpu.memory_space<hbm>>
    %dma_start3A_392 = arith.constant 96 : i32
    %dma_start3A_393 = arith.constant 0 : i32
    %dma_start3A_394 = tpu.memref_slice %arg5[%dma_start3A_392, %dma_start3A_393] : memref<128x768xf32, #tpu.memory_space<vmem>> -> memref<32x768xf32, #tpu.memory_space<vmem>>
    tpu.enqueue_dma source(%dma_start3A_394 : memref<32x768xf32, #tpu.memory_space<vmem>>) target(%dma_start3A_391 : memref<32x768xf32, #tpu.memory_space<hbm>>) target_semaphore(%arg9 : memref<!tpu.dma_semaphore, #tpu.memory_space<semaphore_mem>>)
    %add3A_395 = arith.constant 96 : i32
    %add3A_396 = arith.addi %mul3A_2, %add3A_395 : i32
    %dma_start3A_397 = arith.constant 2 : i32
    %dma_start3A_398 = arith.constant 96 : i32
    %dma_start3A_399 = arith.constant 0 : i32
    %dma_start3A_400 = tpu.memref_slice %arg5[%dma_start3A_398, %dma_start3A_399] : memref<128x768xf32, #tpu.memory_space<vmem>> -> memref<32x768xf32, #tpu.memory_space<vmem>>
    %dma_start3A_401 = arith.constant 0 : i32
    %dma_start3A_402 = tpu.memref_slice %arg4[%dma_start3A_397, %add3A_396, %dma_start3A_401] : memref<4x4096x768xf32, #tpu.memory_space<hbm>> -> memref<1x32x768xf32, #tpu.memory_space<hbm>>
    %dma_start3A_403 = tpu.memref_squeeze %dma_start3A_402 : memref<1x32x768xf32, #tpu.memory_space<hbm>> -> memref<32x768xf32, #tpu.memory_space<hbm>>
    %dma_start3A_404 = arith.constant 0 : i32
    %dma_start3A_405 = tpu.memref_slice %arg4[%dma_start3A_397, %add3A_396, %dma_start3A_404] : memref<4x4096x768xf32, #tpu.memory_space<hbm>> -> memref<1x32x768xf32, #tpu.memory_space<hbm>>
    %dma_start3A_406 = tpu.memref_squeeze %dma_start3A_405 : memref<1x32x768xf32, #tpu.memory_space<hbm>> -> memref<32x768xf32, #tpu.memory_space<hbm>>
    %dma_start3A_407 = arith.constant 96 : i32
    %dma_start3A_408 = arith.constant 0 : i32
    %dma_start3A_409 = tpu.memref_slice %arg5[%dma_start3A_407, %dma_start3A_408] : memref<128x768xf32, #tpu.memory_space<vmem>> -> memref<32x768xf32, #tpu.memory_space<vmem>>
    tpu.enqueue_dma source(%dma_start3A_409 : memref<32x768xf32, #tpu.memory_space<vmem>>) target(%dma_start3A_406 : memref<32x768xf32, #tpu.memory_space<hbm>>) target_semaphore(%arg9 : memref<!tpu.dma_semaphore, #tpu.memory_space<semaphore_mem>>)
    %add3A_410 = arith.constant 96 : i32
    %add3A_411 = arith.addi %mul3A_2, %add3A_410 : i32
    %dma_start3A_412 = arith.constant 3 : i32
    %dma_start3A_413 = arith.constant 96 : i32
    %dma_start3A_414 = arith.constant 0 : i32
    %dma_start3A_415 = tpu.memref_slice %arg5[%dma_start3A_413, %dma_start3A_414] : memref<128x768xf32, #tpu.memory_space<vmem>> -> memref<32x768xf32, #tpu.memory_space<vmem>>
    %dma_start3A_416 = arith.constant 0 : i32
    %dma_start3A_417 = tpu.memref_slice %arg4[%dma_start3A_412, %add3A_411, %dma_start3A_416] : memref<4x4096x768xf32, #tpu.memory_space<hbm>> -> memref<1x32x768xf32, #tpu.memory_space<hbm>>
    %dma_start3A_418 = tpu.memref_squeeze %dma_start3A_417 : memref<1x32x768xf32, #tpu.memory_space<hbm>> -> memref<32x768xf32, #tpu.memory_space<hbm>>
    %dma_start3A_419 = arith.constant 0 : i32
    %dma_start3A_420 = tpu.memref_slice %arg4[%dma_start3A_412, %add3A_411, %dma_start3A_419] : memref<4x4096x768xf32, #tpu.memory_space<hbm>> -> memref<1x32x768xf32, #tpu.memory_space<hbm>>
    %dma_start3A_421 = tpu.memref_squeeze %dma_start3A_420 : memref<1x32x768xf32, #tpu.memory_space<hbm>> -> memref<32x768xf32, #tpu.memory_space<hbm>>
    %dma_start3A_422 = arith.constant 96 : i32
    %dma_start3A_423 = arith.constant 0 : i32
    %dma_start3A_424 = tpu.memref_slice %arg5[%dma_start3A_422, %dma_start3A_423] : memref<128x768xf32, #tpu.memory_space<vmem>> -> memref<32x768xf32, #tpu.memory_space<vmem>>
    tpu.enqueue_dma source(%dma_start3A_424 : memref<32x768xf32, #tpu.memory_space<vmem>>) target(%dma_start3A_421 : memref<32x768xf32, #tpu.memory_space<hbm>>) target_semaphore(%arg9 : memref<!tpu.dma_semaphore, #tpu.memory_space<semaphore_mem>>)
    %dma_wait3A_425 = arith.constant 0 : i32
    %dma_wait3A_426 = arith.constant 0 : i32
    %dma_wait3A_427 = arith.constant 0 : i32
    %dma_wait3A_428 = tpu.memref_slice %arg5[%dma_wait3A_426, %dma_wait3A_427] : memref<128x768xf32, #tpu.memory_space<vmem>> -> memref<32x768xf32, #tpu.memory_space<vmem>>
    %dma_wait3A_429 = arith.constant 0 : i32
    %dma_wait3A_430 = tpu.memref_slice %arg4[%dma_wait3A_425, %add3A_132, %dma_wait3A_429] : memref<4x4096x768xf32, #tpu.memory_space<hbm>> -> memref<1x32x768xf32, #tpu.memory_space<hbm>>
    %dma_wait3A_431 = tpu.memref_squeeze %dma_wait3A_430 : memref<1x32x768xf32, #tpu.memory_space<hbm>> -> memref<32x768xf32, #tpu.memory_space<hbm>>
    %dma_wait3A_432 = arith.constant 0 : i32
    %dma_wait3A_433 = tpu.memref_slice %arg4[%dma_wait3A_425, %add3A_132, %dma_wait3A_432] : memref<4x4096x768xf32, #tpu.memory_space<hbm>> -> memref<1x32x768xf32, #tpu.memory_space<hbm>>
    %dma_wait3A_434 = tpu.memref_squeeze %dma_wait3A_433 : memref<1x32x768xf32, #tpu.memory_space<hbm>> -> memref<32x768xf32, #tpu.memory_space<hbm>>
    %dma_wait3A_435 = arith.constant 0 : i32
    %dma_wait3A_436 = arith.constant 0 : i32
    %dma_wait3A_437 = tpu.memref_slice %arg5[%dma_wait3A_435, %dma_wait3A_436] : memref<128x768xf32, #tpu.memory_space<vmem>> -> memref<32x768xf32, #tpu.memory_space<vmem>>
    tpu.wait_dma2 semaphore(%arg9 : memref<!tpu.dma_semaphore, #tpu.memory_space<semaphore_mem>>) src(%dma_wait3A_437 : memref<32x768xf32, #tpu.memory_space<vmem>>) dst(%dma_wait3A_434 : memref<32x768xf32, #tpu.memory_space<hbm>>)
    %dma_wait3A_438 = arith.constant 1 : i32
    %dma_wait3A_439 = arith.constant 0 : i32
    %dma_wait3A_440 = arith.constant 0 : i32
    %dma_wait3A_441 = tpu.memref_slice %arg5[%dma_wait3A_439, %dma_wait3A_440] : memref<128x768xf32, #tpu.memory_space<vmem>> -> memref<32x768xf32, #tpu.memory_space<vmem>>
    %dma_wait3A_442 = arith.constant 0 : i32
    %dma_wait3A_443 = tpu.memref_slice %arg4[%dma_wait3A_438, %add3A_147, %dma_wait3A_442] : memref<4x4096x768xf32, #tpu.memory_space<hbm>> -> memref<1x32x768xf32, #tpu.memory_space<hbm>>
    %dma_wait3A_444 = tpu.memref_squeeze %dma_wait3A_443 : memref<1x32x768xf32, #tpu.memory_space<hbm>> -> memref<32x768xf32, #tpu.memory_space<hbm>>
    %dma_wait3A_445 = arith.constant 0 : i32
    %dma_wait3A_446 = tpu.memref_slice %arg4[%dma_wait3A_438, %add3A_147, %dma_wait3A_445] : memref<4x4096x768xf32, #tpu.memory_space<hbm>> -> memref<1x32x768xf32, #tpu.memory_space<hbm>>
    %dma_wait3A_447 = tpu.memref_squeeze %dma_wait3A_446 : memref<1x32x768xf32, #tpu.memory_space<hbm>> -> memref<32x768xf32, #tpu.memory_space<hbm>>
    %dma_wait3A_448 = arith.constant 0 : i32
    %dma_wait3A_449 = arith.constant 0 : i32
    %dma_wait3A_450 = tpu.memref_slice %arg5[%dma_wait3A_448, %dma_wait3A_449] : memref<128x768xf32, #tpu.memory_space<vmem>> -> memref<32x768xf32, #tpu.memory_space<vmem>>
    tpu.wait_dma2 semaphore(%arg9 : memref<!tpu.dma_semaphore, #tpu.memory_space<semaphore_mem>>) src(%dma_wait3A_450 : memref<32x768xf32, #tpu.memory_space<vmem>>) dst(%dma_wait3A_447 : memref<32x768xf32, #tpu.memory_space<hbm>>)
    %dma_wait3A_451 = arith.constant 2 : i32
    %dma_wait3A_452 = arith.constant 0 : i32
    %dma_wait3A_453 = arith.constant 0 : i32
    %dma_wait3A_454 = tpu.memref_slice %arg5[%dma_wait3A_452, %dma_wait3A_453] : memref<128x768xf32, #tpu.memory_space<vmem>> -> memref<32x768xf32, #tpu.memory_space<vmem>>
    %dma_wait3A_455 = arith.constant 0 : i32
    %dma_wait3A_456 = tpu.memref_slice %arg4[%dma_wait3A_451, %add3A_162, %dma_wait3A_455] : memref<4x4096x768xf32, #tpu.memory_space<hbm>> -> memref<1x32x768xf32, #tpu.memory_space<hbm>>
    %dma_wait3A_457 = tpu.memref_squeeze %dma_wait3A_456 : memref<1x32x768xf32, #tpu.memory_space<hbm>> -> memref<32x768xf32, #tpu.memory_space<hbm>>
    %dma_wait3A_458 = arith.constant 0 : i32
    %dma_wait3A_459 = tpu.memref_slice %arg4[%dma_wait3A_451, %add3A_162, %dma_wait3A_458] : memref<4x4096x768xf32, #tpu.memory_space<hbm>> -> memref<1x32x768xf32, #tpu.memory_space<hbm>>
    %dma_wait3A_460 = tpu.memref_squeeze %dma_wait3A_459 : memref<1x32x768xf32, #tpu.memory_space<hbm>> -> memref<32x768xf32, #tpu.memory_space<hbm>>
    %dma_wait3A_461 = arith.constant 0 : i32
    %dma_wait3A_462 = arith.constant 0 : i32
    %dma_wait3A_463 = tpu.memref_slice %arg5[%dma_wait3A_461, %dma_wait3A_462] : memref<128x768xf32, #tpu.memory_space<vmem>> -> memref<32x768xf32, #tpu.memory_space<vmem>>
    tpu.wait_dma2 semaphore(%arg9 : memref<!tpu.dma_semaphore, #tpu.memory_space<semaphore_mem>>) src(%dma_wait3A_463 : memref<32x768xf32, #tpu.memory_space<vmem>>) dst(%dma_wait3A_460 : memref<32x768xf32, #tpu.memory_space<hbm>>)
    %dma_wait3A_464 = arith.constant 3 : i32
    %dma_wait3A_465 = arith.constant 0 : i32
    %dma_wait3A_466 = arith.constant 0 : i32
    %dma_wait3A_467 = tpu.memref_slice %arg5[%dma_wait3A_465, %dma_wait3A_466] : memref<128x768xf32, #tpu.memory_space<vmem>> -> memref<32x768xf32, #tpu.memory_space<vmem>>
    %dma_wait3A_468 = arith.constant 0 : i32
    %dma_wait3A_469 = tpu.memref_slice %arg4[%dma_wait3A_464, %add3A_177, %dma_wait3A_468] : memref<4x4096x768xf32, #tpu.memory_space<hbm>> -> memref<1x32x768xf32, #tpu.memory_space<hbm>>
    %dma_wait3A_470 = tpu.memref_squeeze %dma_wait3A_469 : memref<1x32x768xf32, #tpu.memory_space<hbm>> -> memref<32x768xf32, #tpu.memory_space<hbm>>
    %dma_wait3A_471 = arith.constant 0 : i32
    %dma_wait3A_472 = tpu.memref_slice %arg4[%dma_wait3A_464, %add3A_177, %dma_wait3A_471] : memref<4x4096x768xf32, #tpu.memory_space<hbm>> -> memref<1x32x768xf32, #tpu.memory_space<hbm>>
    %dma_wait3A_473 = tpu.memref_squeeze %dma_wait3A_472 : memref<1x32x768xf32, #tpu.memory_space<hbm>> -> memref<32x768xf32, #tpu.memory_space<hbm>>
    %dma_wait3A_474 = arith.constant 0 : i32
    %dma_wait3A_475 = arith.constant 0 : i32
    %dma_wait3A_476 = tpu.memref_slice %arg5[%dma_wait3A_474, %dma_wait3A_475] : memref<128x768xf32, #tpu.memory_space<vmem>> -> memref<32x768xf32, #tpu.memory_space<vmem>>
    tpu.wait_dma2 semaphore(%arg9 : memref<!tpu.dma_semaphore, #tpu.memory_space<semaphore_mem>>) src(%dma_wait3A_476 : memref<32x768xf32, #tpu.memory_space<vmem>>) dst(%dma_wait3A_473 : memref<32x768xf32, #tpu.memory_space<hbm>>)
    %dma_wait3A_477 = arith.constant 0 : i32
    %dma_wait3A_478 = arith.constant 32 : i32
    %dma_wait3A_479 = arith.constant 0 : i32
    %dma_wait3A_480 = tpu.memref_slice %arg5[%dma_wait3A_478, %dma_wait3A_479] : memref<128x768xf32, #tpu.memory_space<vmem>> -> memref<32x768xf32, #tpu.memory_space<vmem>>
    %dma_wait3A_481 = arith.constant 0 : i32
    %dma_wait3A_482 = tpu.memref_slice %arg4[%dma_wait3A_477, %add3A_210, %dma_wait3A_481] : memref<4x4096x768xf32, #tpu.memory_space<hbm>> -> memref<1x32x768xf32, #tpu.memory_space<hbm>>
    %dma_wait3A_483 = tpu.memref_squeeze %dma_wait3A_482 : memref<1x32x768xf32, #tpu.memory_space<hbm>> -> memref<32x768xf32, #tpu.memory_space<hbm>>
    %dma_wait3A_484 = arith.constant 0 : i32
    %dma_wait3A_485 = tpu.memref_slice %arg4[%dma_wait3A_477, %add3A_210, %dma_wait3A_484] : memref<4x4096x768xf32, #tpu.memory_space<hbm>> -> memref<1x32x768xf32, #tpu.memory_space<hbm>>
    %dma_wait3A_486 = tpu.memref_squeeze %dma_wait3A_485 : memref<1x32x768xf32, #tpu.memory_space<hbm>> -> memref<32x768xf32, #tpu.memory_space<hbm>>
    %dma_wait3A_487 = arith.constant 32 : i32
    %dma_wait3A_488 = arith.constant 0 : i32
    %dma_wait3A_489 = tpu.memref_slice %arg5[%dma_wait3A_487, %dma_wait3A_488] : memref<128x768xf32, #tpu.memory_space<vmem>> -> memref<32x768xf32, #tpu.memory_space<vmem>>
    tpu.wait_dma2 semaphore(%arg9 : memref<!tpu.dma_semaphore, #tpu.memory_space<semaphore_mem>>) src(%dma_wait3A_489 : memref<32x768xf32, #tpu.memory_space<vmem>>) dst(%dma_wait3A_486 : memref<32x768xf32, #tpu.memory_space<hbm>>)
    %dma_wait3A_490 = arith.constant 1 : i32
    %dma_wait3A_491 = arith.constant 32 : i32
    %dma_wait3A_492 = arith.constant 0 : i32
    %dma_wait3A_493 = tpu.memref_slice %arg5[%dma_wait3A_491, %dma_wait3A_492] : memref<128x768xf32, #tpu.memory_space<vmem>> -> memref<32x768xf32, #tpu.memory_space<vmem>>
    %dma_wait3A_494 = arith.constant 0 : i32
    %dma_wait3A_495 = tpu.memref_slice %arg4[%dma_wait3A_490, %add3A_225, %dma_wait3A_494] : memref<4x4096x768xf32, #tpu.memory_space<hbm>> -> memref<1x32x768xf32, #tpu.memory_space<hbm>>
    %dma_wait3A_496 = tpu.memref_squeeze %dma_wait3A_495 : memref<1x32x768xf32, #tpu.memory_space<hbm>> -> memref<32x768xf32, #tpu.memory_space<hbm>>
    %dma_wait3A_497 = arith.constant 0 : i32
    %dma_wait3A_498 = tpu.memref_slice %arg4[%dma_wait3A_490, %add3A_225, %dma_wait3A_497] : memref<4x4096x768xf32, #tpu.memory_space<hbm>> -> memref<1x32x768xf32, #tpu.memory_space<hbm>>
    %dma_wait3A_499 = tpu.memref_squeeze %dma_wait3A_498 : memref<1x32x768xf32, #tpu.memory_space<hbm>> -> memref<32x768xf32, #tpu.memory_space<hbm>>
    %dma_wait3A_500 = arith.constant 32 : i32
    %dma_wait3A_501 = arith.constant 0 : i32
    %dma_wait3A_502 = tpu.memref_slice %arg5[%dma_wait3A_500, %dma_wait3A_501] : memref<128x768xf32, #tpu.memory_space<vmem>> -> memref<32x768xf32, #tpu.memory_space<vmem>>
    tpu.wait_dma2 semaphore(%arg9 : memref<!tpu.dma_semaphore, #tpu.memory_space<semaphore_mem>>) src(%dma_wait3A_502 : memref<32x768xf32, #tpu.memory_space<vmem>>) dst(%dma_wait3A_499 : memref<32x768xf32, #tpu.memory_space<hbm>>)
    %dma_wait3A_503 = arith.constant 2 : i32
    %dma_wait3A_504 = arith.constant 32 : i32
    %dma_wait3A_505 = arith.constant 0 : i32
    %dma_wait3A_506 = tpu.memref_slice %arg5[%dma_wait3A_504, %dma_wait3A_505] : memref<128x768xf32, #tpu.memory_space<vmem>> -> memref<32x768xf32, #tpu.memory_space<vmem>>
    %dma_wait3A_507 = arith.constant 0 : i32
    %dma_wait3A_508 = tpu.memref_slice %arg4[%dma_wait3A_503, %add3A_240, %dma_wait3A_507] : memref<4x4096x768xf32, #tpu.memory_space<hbm>> -> memref<1x32x768xf32, #tpu.memory_space<hbm>>
    %dma_wait3A_509 = tpu.memref_squeeze %dma_wait3A_508 : memref<1x32x768xf32, #tpu.memory_space<hbm>> -> memref<32x768xf32, #tpu.memory_space<hbm>>
    %dma_wait3A_510 = arith.constant 0 : i32
    %dma_wait3A_511 = tpu.memref_slice %arg4[%dma_wait3A_503, %add3A_240, %dma_wait3A_510] : memref<4x4096x768xf32, #tpu.memory_space<hbm>> -> memref<1x32x768xf32, #tpu.memory_space<hbm>>
    %dma_wait3A_512 = tpu.memref_squeeze %dma_wait3A_511 : memref<1x32x768xf32, #tpu.memory_space<hbm>> -> memref<32x768xf32, #tpu.memory_space<hbm>>
    %dma_wait3A_513 = arith.constant 32 : i32
    %dma_wait3A_514 = arith.constant 0 : i32
    %dma_wait3A_515 = tpu.memref_slice %arg5[%dma_wait3A_513, %dma_wait3A_514] : memref<128x768xf32, #tpu.memory_space<vmem>> -> memref<32x768xf32, #tpu.memory_space<vmem>>
    tpu.wait_dma2 semaphore(%arg9 : memref<!tpu.dma_semaphore, #tpu.memory_space<semaphore_mem>>) src(%dma_wait3A_515 : memref<32x768xf32, #tpu.memory_space<vmem>>) dst(%dma_wait3A_512 : memref<32x768xf32, #tpu.memory_space<hbm>>)
    %dma_wait3A_516 = arith.constant 3 : i32
    %dma_wait3A_517 = arith.constant 32 : i32
    %dma_wait3A_518 = arith.constant 0 : i32
    %dma_wait3A_519 = tpu.memref_slice %arg5[%dma_wait3A_517, %dma_wait3A_518] : memref<128x768xf32, #tpu.memory_space<vmem>> -> memref<32x768xf32, #tpu.memory_space<vmem>>
    %dma_wait3A_520 = arith.constant 0 : i32
    %dma_wait3A_521 = tpu.memref_slice %arg4[%dma_wait3A_516, %add3A_255, %dma_wait3A_520] : memref<4x4096x768xf32, #tpu.memory_space<hbm>> -> memref<1x32x768xf32, #tpu.memory_space<hbm>>
    %dma_wait3A_522 = tpu.memref_squeeze %dma_wait3A_521 : memref<1x32x768xf32, #tpu.memory_space<hbm>> -> memref<32x768xf32, #tpu.memory_space<hbm>>
    %dma_wait3A_523 = arith.constant 0 : i32
    %dma_wait3A_524 = tpu.memref_slice %arg4[%dma_wait3A_516, %add3A_255, %dma_wait3A_523] : memref<4x4096x768xf32, #tpu.memory_space<hbm>> -> memref<1x32x768xf32, #tpu.memory_space<hbm>>
    %dma_wait3A_525 = tpu.memref_squeeze %dma_wait3A_524 : memref<1x32x768xf32, #tpu.memory_space<hbm>> -> memref<32x768xf32, #tpu.memory_space<hbm>>
    %dma_wait3A_526 = arith.constant 32 : i32
    %dma_wait3A_527 = arith.constant 0 : i32
    %dma_wait3A_528 = tpu.memref_slice %arg5[%dma_wait3A_526, %dma_wait3A_527] : memref<128x768xf32, #tpu.memory_space<vmem>> -> memref<32x768xf32, #tpu.memory_space<vmem>>
    tpu.wait_dma2 semaphore(%arg9 : memref<!tpu.dma_semaphore, #tpu.memory_space<semaphore_mem>>) src(%dma_wait3A_528 : memref<32x768xf32, #tpu.memory_space<vmem>>) dst(%dma_wait3A_525 : memref<32x768xf32, #tpu.memory_space<hbm>>)
    %dma_wait3A_529 = arith.constant 0 : i32
    %dma_wait3A_530 = arith.constant 64 : i32
    %dma_wait3A_531 = arith.constant 0 : i32
    %dma_wait3A_532 = tpu.memref_slice %arg5[%dma_wait3A_530, %dma_wait3A_531] : memref<128x768xf32, #tpu.memory_space<vmem>> -> memref<32x768xf32, #tpu.memory_space<vmem>>
    %dma_wait3A_533 = arith.constant 0 : i32
    %dma_wait3A_534 = tpu.memref_slice %arg4[%dma_wait3A_529, %add3A_288, %dma_wait3A_533] : memref<4x4096x768xf32, #tpu.memory_space<hbm>> -> memref<1x32x768xf32, #tpu.memory_space<hbm>>
    %dma_wait3A_535 = tpu.memref_squeeze %dma_wait3A_534 : memref<1x32x768xf32, #tpu.memory_space<hbm>> -> memref<32x768xf32, #tpu.memory_space<hbm>>
    %dma_wait3A_536 = arith.constant 0 : i32
    %dma_wait3A_537 = tpu.memref_slice %arg4[%dma_wait3A_529, %add3A_288, %dma_wait3A_536] : memref<4x4096x768xf32, #tpu.memory_space<hbm>> -> memref<1x32x768xf32, #tpu.memory_space<hbm>>
    %dma_wait3A_538 = tpu.memref_squeeze %dma_wait3A_537 : memref<1x32x768xf32, #tpu.memory_space<hbm>> -> memref<32x768xf32, #tpu.memory_space<hbm>>
    %dma_wait3A_539 = arith.constant 64 : i32
    %dma_wait3A_540 = arith.constant 0 : i32
    %dma_wait3A_541 = tpu.memref_slice %arg5[%dma_wait3A_539, %dma_wait3A_540] : memref<128x768xf32, #tpu.memory_space<vmem>> -> memref<32x768xf32, #tpu.memory_space<vmem>>
    tpu.wait_dma2 semaphore(%arg9 : memref<!tpu.dma_semaphore, #tpu.memory_space<semaphore_mem>>) src(%dma_wait3A_541 : memref<32x768xf32, #tpu.memory_space<vmem>>) dst(%dma_wait3A_538 : memref<32x768xf32, #tpu.memory_space<hbm>>)
    %dma_wait3A_542 = arith.constant 1 : i32
    %dma_wait3A_543 = arith.constant 64 : i32
    %dma_wait3A_544 = arith.constant 0 : i32
    %dma_wait3A_545 = tpu.memref_slice %arg5[%dma_wait3A_543, %dma_wait3A_544] : memref<128x768xf32, #tpu.memory_space<vmem>> -> memref<32x768xf32, #tpu.memory_space<vmem>>
    %dma_wait3A_546 = arith.constant 0 : i32
    %dma_wait3A_547 = tpu.memref_slice %arg4[%dma_wait3A_542, %add3A_303, %dma_wait3A_546] : memref<4x4096x768xf32, #tpu.memory_space<hbm>> -> memref<1x32x768xf32, #tpu.memory_space<hbm>>
    %dma_wait3A_548 = tpu.memref_squeeze %dma_wait3A_547 : memref<1x32x768xf32, #tpu.memory_space<hbm>> -> memref<32x768xf32, #tpu.memory_space<hbm>>
    %dma_wait3A_549 = arith.constant 0 : i32
    %dma_wait3A_550 = tpu.memref_slice %arg4[%dma_wait3A_542, %add3A_303, %dma_wait3A_549] : memref<4x4096x768xf32, #tpu.memory_space<hbm>> -> memref<1x32x768xf32, #tpu.memory_space<hbm>>
    %dma_wait3A_551 = tpu.memref_squeeze %dma_wait3A_550 : memref<1x32x768xf32, #tpu.memory_space<hbm>> -> memref<32x768xf32, #tpu.memory_space<hbm>>
    %dma_wait3A_552 = arith.constant 64 : i32
    %dma_wait3A_553 = arith.constant 0 : i32
    %dma_wait3A_554 = tpu.memref_slice %arg5[%dma_wait3A_552, %dma_wait3A_553] : memref<128x768xf32, #tpu.memory_space<vmem>> -> memref<32x768xf32, #tpu.memory_space<vmem>>
    tpu.wait_dma2 semaphore(%arg9 : memref<!tpu.dma_semaphore, #tpu.memory_space<semaphore_mem>>) src(%dma_wait3A_554 : memref<32x768xf32, #tpu.memory_space<vmem>>) dst(%dma_wait3A_551 : memref<32x768xf32, #tpu.memory_space<hbm>>)
    %dma_wait3A_555 = arith.constant 2 : i32
    %dma_wait3A_556 = arith.constant 64 : i32
    %dma_wait3A_557 = arith.constant 0 : i32
    %dma_wait3A_558 = tpu.memref_slice %arg5[%dma_wait3A_556, %dma_wait3A_557] : memref<128x768xf32, #tpu.memory_space<vmem>> -> memref<32x768xf32, #tpu.memory_space<vmem>>
    %dma_wait3A_559 = arith.constant 0 : i32
    %dma_wait3A_560 = tpu.memref_slice %arg4[%dma_wait3A_555, %add3A_318, %dma_wait3A_559] : memref<4x4096x768xf32, #tpu.memory_space<hbm>> -> memref<1x32x768xf32, #tpu.memory_space<hbm>>
    %dma_wait3A_561 = tpu.memref_squeeze %dma_wait3A_560 : memref<1x32x768xf32, #tpu.memory_space<hbm>> -> memref<32x768xf32, #tpu.memory_space<hbm>>
    %dma_wait3A_562 = arith.constant 0 : i32
    %dma_wait3A_563 = tpu.memref_slice %arg4[%dma_wait3A_555, %add3A_318, %dma_wait3A_562] : memref<4x4096x768xf32, #tpu.memory_space<hbm>> -> memref<1x32x768xf32, #tpu.memory_space<hbm>>
    %dma_wait3A_564 = tpu.memref_squeeze %dma_wait3A_563 : memref<1x32x768xf32, #tpu.memory_space<hbm>> -> memref<32x768xf32, #tpu.memory_space<hbm>>
    %dma_wait3A_565 = arith.constant 64 : i32
    %dma_wait3A_566 = arith.constant 0 : i32
    %dma_wait3A_567 = tpu.memref_slice %arg5[%dma_wait3A_565, %dma_wait3A_566] : memref<128x768xf32, #tpu.memory_space<vmem>> -> memref<32x768xf32, #tpu.memory_space<vmem>>
    tpu.wait_dma2 semaphore(%arg9 : memref<!tpu.dma_semaphore, #tpu.memory_space<semaphore_mem>>) src(%dma_wait3A_567 : memref<32x768xf32, #tpu.memory_space<vmem>>) dst(%dma_wait3A_564 : memref<32x768xf32, #tpu.memory_space<hbm>>)
    %dma_wait3A_568 = arith.constant 3 : i32
    %dma_wait3A_569 = arith.constant 64 : i32
    %dma_wait3A_570 = arith.constant 0 : i32
    %dma_wait3A_571 = tpu.memref_slice %arg5[%dma_wait3A_569, %dma_wait3A_570] : memref<128x768xf32, #tpu.memory_space<vmem>> -> memref<32x768xf32, #tpu.memory_space<vmem>>
    %dma_wait3A_572 = arith.constant 0 : i32
    %dma_wait3A_573 = tpu.memref_slice %arg4[%dma_wait3A_568, %add3A_333, %dma_wait3A_572] : memref<4x4096x768xf32, #tpu.memory_space<hbm>> -> memref<1x32x768xf32, #tpu.memory_space<hbm>>
    %dma_wait3A_574 = tpu.memref_squeeze %dma_wait3A_573 : memref<1x32x768xf32, #tpu.memory_space<hbm>> -> memref<32x768xf32, #tpu.memory_space<hbm>>
    %dma_wait3A_575 = arith.constant 0 : i32
    %dma_wait3A_576 = tpu.memref_slice %arg4[%dma_wait3A_568, %add3A_333, %dma_wait3A_575] : memref<4x4096x768xf32, #tpu.memory_space<hbm>> -> memref<1x32x768xf32, #tpu.memory_space<hbm>>
    %dma_wait3A_577 = tpu.memref_squeeze %dma_wait3A_576 : memref<1x32x768xf32, #tpu.memory_space<hbm>> -> memref<32x768xf32, #tpu.memory_space<hbm>>
    %dma_wait3A_578 = arith.constant 64 : i32
    %dma_wait3A_579 = arith.constant 0 : i32
    %dma_wait3A_580 = tpu.memref_slice %arg5[%dma_wait3A_578, %dma_wait3A_579] : memref<128x768xf32, #tpu.memory_space<vmem>> -> memref<32x768xf32, #tpu.memory_space<vmem>>
    tpu.wait_dma2 semaphore(%arg9 : memref<!tpu.dma_semaphore, #tpu.memory_space<semaphore_mem>>) src(%dma_wait3A_580 : memref<32x768xf32, #tpu.memory_space<vmem>>) dst(%dma_wait3A_577 : memref<32x768xf32, #tpu.memory_space<hbm>>)
    %dma_wait3A_581 = arith.constant 0 : i32
    %dma_wait3A_582 = arith.constant 96 : i32
    %dma_wait3A_583 = arith.constant 0 : i32
    %dma_wait3A_584 = tpu.memref_slice %arg5[%dma_wait3A_582, %dma_wait3A_583] : memref<128x768xf32, #tpu.memory_space<vmem>> -> memref<32x768xf32, #tpu.memory_space<vmem>>
    %dma_wait3A_585 = arith.constant 0 : i32
    %dma_wait3A_586 = tpu.memref_slice %arg4[%dma_wait3A_581, %add3A_366, %dma_wait3A_585] : memref<4x4096x768xf32, #tpu.memory_space<hbm>> -> memref<1x32x768xf32, #tpu.memory_space<hbm>>
    %dma_wait3A_587 = tpu.memref_squeeze %dma_wait3A_586 : memref<1x32x768xf32, #tpu.memory_space<hbm>> -> memref<32x768xf32, #tpu.memory_space<hbm>>
    %dma_wait3A_588 = arith.constant 0 : i32
    %dma_wait3A_589 = tpu.memref_slice %arg4[%dma_wait3A_581, %add3A_366, %dma_wait3A_588] : memref<4x4096x768xf32, #tpu.memory_space<hbm>> -> memref<1x32x768xf32, #tpu.memory_space<hbm>>
    %dma_wait3A_590 = tpu.memref_squeeze %dma_wait3A_589 : memref<1x32x768xf32, #tpu.memory_space<hbm>> -> memref<32x768xf32, #tpu.memory_space<hbm>>
    %dma_wait3A_591 = arith.constant 96 : i32
    %dma_wait3A_592 = arith.constant 0 : i32
    %dma_wait3A_593 = tpu.memref_slice %arg5[%dma_wait3A_591, %dma_wait3A_592] : memref<128x768xf32, #tpu.memory_space<vmem>> -> memref<32x768xf32, #tpu.memory_space<vmem>>
    tpu.wait_dma2 semaphore(%arg9 : memref<!tpu.dma_semaphore, #tpu.memory_space<semaphore_mem>>) src(%dma_wait3A_593 : memref<32x768xf32, #tpu.memory_space<vmem>>) dst(%dma_wait3A_590 : memref<32x768xf32, #tpu.memory_space<hbm>>)
    %dma_wait3A_594 = arith.constant 1 : i32
    %dma_wait3A_595 = arith.constant 96 : i32
    %dma_wait3A_596 = arith.constant 0 : i32
    %dma_wait3A_597 = tpu.memref_slice %arg5[%dma_wait3A_595, %dma_wait3A_596] : memref<128x768xf32, #tpu.memory_space<vmem>> -> memref<32x768xf32, #tpu.memory_space<vmem>>
    %dma_wait3A_598 = arith.constant 0 : i32
    %dma_wait3A_599 = tpu.memref_slice %arg4[%dma_wait3A_594, %add3A_381, %dma_wait3A_598] : memref<4x4096x768xf32, #tpu.memory_space<hbm>> -> memref<1x32x768xf32, #tpu.memory_space<hbm>>
    %dma_wait3A_600 = tpu.memref_squeeze %dma_wait3A_599 : memref<1x32x768xf32, #tpu.memory_space<hbm>> -> memref<32x768xf32, #tpu.memory_space<hbm>>
    %dma_wait3A_601 = arith.constant 0 : i32
    %dma_wait3A_602 = tpu.memref_slice %arg4[%dma_wait3A_594, %add3A_381, %dma_wait3A_601] : memref<4x4096x768xf32, #tpu.memory_space<hbm>> -> memref<1x32x768xf32, #tpu.memory_space<hbm>>
    %dma_wait3A_603 = tpu.memref_squeeze %dma_wait3A_602 : memref<1x32x768xf32, #tpu.memory_space<hbm>> -> memref<32x768xf32, #tpu.memory_space<hbm>>
    %dma_wait3A_604 = arith.constant 96 : i32
    %dma_wait3A_605 = arith.constant 0 : i32
    %dma_wait3A_606 = tpu.memref_slice %arg5[%dma_wait3A_604, %dma_wait3A_605] : memref<128x768xf32, #tpu.memory_space<vmem>> -> memref<32x768xf32, #tpu.memory_space<vmem>>
    tpu.wait_dma2 semaphore(%arg9 : memref<!tpu.dma_semaphore, #tpu.memory_space<semaphore_mem>>) src(%dma_wait3A_606 : memref<32x768xf32, #tpu.memory_space<vmem>>) dst(%dma_wait3A_603 : memref<32x768xf32, #tpu.memory_space<hbm>>)
    %dma_wait3A_607 = arith.constant 2 : i32
    %dma_wait3A_608 = arith.constant 96 : i32
    %dma_wait3A_609 = arith.constant 0 : i32
    %dma_wait3A_610 = tpu.memref_slice %arg5[%dma_wait3A_608, %dma_wait3A_609] : memref<128x768xf32, #tpu.memory_space<vmem>> -> memref<32x768xf32, #tpu.memory_space<vmem>>
    %dma_wait3A_611 = arith.constant 0 : i32
    %dma_wait3A_612 = tpu.memref_slice %arg4[%dma_wait3A_607, %add3A_396, %dma_wait3A_611] : memref<4x4096x768xf32, #tpu.memory_space<hbm>> -> memref<1x32x768xf32, #tpu.memory_space<hbm>>
    %dma_wait3A_613 = tpu.memref_squeeze %dma_wait3A_612 : memref<1x32x768xf32, #tpu.memory_space<hbm>> -> memref<32x768xf32, #tpu.memory_space<hbm>>
    %dma_wait3A_614 = arith.constant 0 : i32
    %dma_wait3A_615 = tpu.memref_slice %arg4[%dma_wait3A_607, %add3A_396, %dma_wait3A_614] : memref<4x4096x768xf32, #tpu.memory_space<hbm>> -> memref<1x32x768xf32, #tpu.memory_space<hbm>>
    %dma_wait3A_616 = tpu.memref_squeeze %dma_wait3A_615 : memref<1x32x768xf32, #tpu.memory_space<hbm>> -> memref<32x768xf32, #tpu.memory_space<hbm>>
    %dma_wait3A_617 = arith.constant 96 : i32
    %dma_wait3A_618 = arith.constant 0 : i32
    %dma_wait3A_619 = tpu.memref_slice %arg5[%dma_wait3A_617, %dma_wait3A_618] : memref<128x768xf32, #tpu.memory_space<vmem>> -> memref<32x768xf32, #tpu.memory_space<vmem>>
    tpu.wait_dma2 semaphore(%arg9 : memref<!tpu.dma_semaphore, #tpu.memory_space<semaphore_mem>>) src(%dma_wait3A_619 : memref<32x768xf32, #tpu.memory_space<vmem>>) dst(%dma_wait3A_616 : memref<32x768xf32, #tpu.memory_space<hbm>>)
    %dma_wait3A_620 = arith.constant 3 : i32
    %dma_wait3A_621 = arith.constant 96 : i32
    %dma_wait3A_622 = arith.constant 0 : i32
    %dma_wait3A_623 = tpu.memref_slice %arg5[%dma_wait3A_621, %dma_wait3A_622] : memref<128x768xf32, #tpu.memory_space<vmem>> -> memref<32x768xf32, #tpu.memory_space<vmem>>
    %dma_wait3A_624 = arith.constant 0 : i32
    %dma_wait3A_625 = tpu.memref_slice %arg4[%dma_wait3A_620, %add3A_411, %dma_wait3A_624] : memref<4x4096x768xf32, #tpu.memory_space<hbm>> -> memref<1x32x768xf32, #tpu.memory_space<hbm>>
    %dma_wait3A_626 = tpu.memref_squeeze %dma_wait3A_625 : memref<1x32x768xf32, #tpu.memory_space<hbm>> -> memref<32x768xf32, #tpu.memory_space<hbm>>
    %dma_wait3A_627 = arith.constant 0 : i32
    %dma_wait3A_628 = tpu.memref_slice %arg4[%dma_wait3A_620, %add3A_411, %dma_wait3A_627] : memref<4x4096x768xf32, #tpu.memory_space<hbm>> -> memref<1x32x768xf32, #tpu.memory_space<hbm>>
    %dma_wait3A_629 = tpu.memref_squeeze %dma_wait3A_628 : memref<1x32x768xf32, #tpu.memory_space<hbm>> -> memref<32x768xf32, #tpu.memory_space<hbm>>
    %dma_wait3A_630 = arith.constant 96 : i32
    %dma_wait3A_631 = arith.constant 0 : i32
    %dma_wait3A_632 = tpu.memref_slice %arg5[%dma_wait3A_630, %dma_wait3A_631] : memref<128x768xf32, #tpu.memory_space<vmem>> -> memref<32x768xf32, #tpu.memory_space<vmem>>
    tpu.wait_dma2 semaphore(%arg9 : memref<!tpu.dma_semaphore, #tpu.memory_space<semaphore_mem>>) src(%dma_wait3A_632 : memref<32x768xf32, #tpu.memory_space<vmem>>) dst(%dma_wait3A_629 : memref<32x768xf32, #tpu.memory_space<hbm>>)
    return
  }
}

</mosaic_0001>

<sc_bundles>
// kernel: kernel.3.cloned.1.call-start
scs
__scs_entry_jumppad:
0x0: {  	(pc) =	sbr.rel $0x88, $3  }
0x1: {  	(tag) =	ssettag $0x0;
	lr =	simm.s32 $0x1  }
0x2: {  	[smem:$0x3F9F] =	sst lr;
	_ =	strace $0xD0000000  }
0x3: {  	_ = 	snop  }
0x4: {  	_ = 	snop  }
0x5: {  	_ = 	snop  }
0x6: {  	_ = 	snop  }
0x7: {  	_ = 	snop  }
__scs_overlays_trampoline_lowered:
0x8: {  	[smem:$0x3FAE] =	sst s0  }
0x9: {  	[smem:$0x3FAF] =	sst s1  }
0xa: {  	[smem:$0x3FB0] =	sst s2  }
0xb: {  	[smem:$0x3FB1] =	sst s3  }
0xc: {  	[smem:$0x3FB2] =	sst s4  }
0xd: {  	[smem:$0x3FB3] =	sst s5  }
0xe: {  	[smem:$0x3FB4] =	sst s6  }
0xf: {  	[smem:$0x3FB5] =	sst s7  }
0x10: {  	[smem:$0x3FB6] =	sst s8  }
0x11: {  	[smem:$0x3FB7] =	sst s9;
	s0 =	simm.s32 @!p0 $0x0  }
0x12: {  	s1 =	sld [smem:$0x3F9D];
	s0 =	simm.s32 @p0 $0x1  }
0x13: {  	[smem:$0x3FB8] =	sst s0;
	s0 =	simm.s32 @!p1 $0x0  }
0x14: {  	s2 =	sld [smem:$0x3F9C];
	s0 =	simm.s32 @p1 $0x1  }
0x15: {  	[smem:$0x3FB9] =	sst s0;
	s0 =	simm.s32 @!p2 $0x0  }
0x16: {  	s3 =	sld [smem:$0x3FDB];
	s0 =	simm.s32 @p2 $0x1  }
0x17: {  	s4 =	simm.s32 $0x1BF5;
	[smem:$0x3FBB] =	sst s0  }
0x18: {  	s0 =	sld [smem:$0x3F9E];
	_ =	swait.ge [sflag:s4], $0x0  }
0x19: {  	s7 =	sld [smem:$0x3F9F]  }
0x1a: {  	s8 =	sadd.s32 $0xFFFFE003, lr  }
0x1b: {  	s9 =	sadd.s32 $0xFFFFFEF7, lr;
	s5 =	simm.s32 $0xFFFFFFFF;
	p2 =	slt.u32 s8, $0xFFFFF086  }
0x1c: {  	p1 =	slt.u32 s9, $0xF7A;
	s5 =	simm.s32 @!p2 $0x0  }
0x1d: {  	s5 =	simm.s32 @p1 $0x1;
	p0 =	seq.s32 s7, s2  }
0x1e: {  	s7 =	smul.u32 @!p0 $0xF7A, s2;
	p2 =	seq.s32 @!p0 s5, $0x0  }
0x1f: {  	s9 =	smul.u32 $0xF7A, s1;
	s8 =	simm.s32 @!p0 $0x1BF5;
	p2 =	por !p2, p0  }
0x20: {  	[sflag:s8] =	ssyncset.s32 @!p0 $0xFFFFF086;
	s6 =	sadd.s32 @!p0 s3, s7;
	s7 =	simm.s32 @!p0 $0x108  }
0x21: {  	s3 =	sadd.s32 s3, s9;
	s6 =	sadd.s32 @!p0 $0x88, s6;
	s7 =	simm.s32 @p2 $0x1082  }
0x22: {  	[simem:s7], [sflag:s8] =	dma.local @!p0 [hbm:s6], $0xF7A  }
0x23: {  	s9 =	sor.u32 $0xD0000000, s2;
	s6 =	simm.s32 $0x108;
	_ =	swait.ge @!p0 [sflag:s8], $0x0  }
0x24: {  	s3 =	sadd.s32 $0x88, s3;
	s6 =	simm.s32 @!p1 $0x1082;
	[sflag:s4] =	ssyncset.s32 $0xFFFFF086  }
0x25: {  	[simem:s6], [sflag:s4] =	dma.local [hbm:s3], $0xF7A  }
0x26: {  	[smem:$0x3F9F] =	sst s1;
	(tag) =	ssettag s2;
	_ =	strace s9  }
0x27: {  	s1 =	sld [smem:$0x3FAF]  }
0x28: {  	s2 =	sld [smem:$0x3FB0]  }
0x29: {  	s4 =	sld [smem:$0x3FB2]  }
0x2a: {  	p0 =	seq.s32 s5, $0x0;
	s5 =	sld [smem:$0x3FB3]  }
0x2b: {  	s6 =	sld [smem:$0x3FB4]  }
0x2c: {  	s7 =	sld [smem:$0x3FB5]  }
0x2d: {  	s3 =	simm.s32 $0x108;
	s8 =	sld [smem:$0x3FB6]  }
0x2e: {  	s3 =	simm.s32 @!p0 $0x1082;
	s9 =	sld [smem:$0x3FB7]  }
0x2f: {  	lr =	sadd.s32 s0, s3;
	s0 =	sld [smem:$0x3FAE]  }
0x30: {  	s3 =	sld [smem:$0x3FB1]  }
0x31: {  	[smem:$0x3FBA] =	sst s10  }
0x32: {  	s10 =	sld [smem:$0x3FB8];
	_ =	sdelay $0x3  }
0x33: {  	p0 =	seq.s32 s10, $0x1;
	s10 =	sld [smem:$0x3FBA];
	_ =	sdelay $0x3  }
0x34: {  	[smem:$0x3FBA] =	sst s10  }
0x35: {  	s10 =	sld [smem:$0x3FB9];
	_ =	sdelay $0x3  }
0x36: {  	p1 =	seq.s32 s10, $0x1;
	s10 =	sld [smem:$0x3FBA];
	_ =	sdelay $0x3  }
0x37: {  	[smem:$0x3FBA] =	sst s10  }
0x38: {  	s10 =	sld [smem:$0x3FBB]  }
0x39: {  	_ = 	snop;
	(pc) =	sbr.ind lr, $3  }
0x3a: {  	_ = 	snop  }
0x3b: {  	_ = 	snop  }
0x3c: {  	p2 =	seq.s32 s10, $0x1;
	s10 =	sld [smem:$0x3FBA]  }
0x3d: {  	_ =	shalt  }
0x3e: {  	_ =	shalt  }
0x3f: {  	_ =	shalt  }
0x40: {  	_ =	shalt  }
0x41: {  	_ =	shalt  }
0x42: {  	_ =	shalt  }
0x43: {  	_ =	shalt  }
0x44: {  	_ =	shalt  }
0x45: {  	_ =	shalt  }
0x46: {  	_ =	shalt  }
0x47: {  	_ =	shalt  }
0x48: {  	_ =	shalt  }
0x49: {  	_ =	shalt  }
0x4a: {  	_ =	shalt  }
0x4b: {  	_ =	shalt  }
0x4c: {  	_ =	shalt  }
0x4d: {  	_ =	shalt  }
0x4e: {  	_ =	shalt  }
0x4f: {  	_ =	shalt  }
0x50: {  	_ =	shalt  }
0x51: {  	_ =	shalt  }
0x52: {  	_ =	shalt  }
0x53: {  	_ =	shalt  }
0x54: {  	_ =	shalt  }
0x55: {  	_ =	shalt  }
0x56: {  	_ =	shalt  }
0x57: {  	_ =	shalt  }
0x58: {  	_ =	shalt  }
0x59: {  	_ =	shalt  }
0x5a: {  	_ =	shalt  }
0x5b: {  	_ =	shalt  }
0x5c: {  	_ =	shalt  }
0x5d: {  	_ =	shalt  }
0x5e: {  	_ =	shalt  }
0x5f: {  	_ =	shalt  }
0x60: {  	_ =	shalt  }
0x61: {  	_ =	shalt  }
0x62: {  	_ =	shalt  }
0x63: {  	_ =	shalt  }
0x64: {  	_ =	shalt  }
0x65: {  	_ =	shalt  }
0x66: {  	_ =	shalt  }
0x67: {  	_ =	shalt  }
0x68: {  	_ =	shalt  }
0x69: {  	_ =	shalt  }
0x6a: {  	_ =	shalt  }
0x6b: {  	_ =	shalt  }
0x6c: {  	_ =	shalt  }
0x6d: {  	_ =	shalt  }
0x6e: {  	_ =	shalt  }
0x6f: {  	_ =	shalt  }
0x70: {  	_ =	shalt  }
0x71: {  	_ =	shalt  }
0x72: {  	_ =	shalt  }
0x73: {  	_ =	shalt  }
0x74: {  	_ =	shalt  }
0x75: {  	_ =	shalt  }
0x76: {  	_ =	shalt  }
0x77: {  	_ =	shalt  }
0x78: {  	_ =	shalt  }
0x79: {  	_ =	shalt  }
0x7a: {  	_ =	shalt  }
0x7b: {  	_ =	shalt  }
0x7c: {  	_ =	shalt  }
0x7d: {  	_ =	shalt  }
0x7e: {  	_ =	shalt  }
0x7f: {  	_ =	shalt  }
0x80: {  	_ =	shalt  }
0x81: {  	_ =	shalt  }
0x82: {  	_ =	shalt  }
0x83: {  	_ =	shalt  }
0x84: {  	_ =	shalt  }
0x85: {  	_ =	shalt  }
0x86: {  	_ =	shalt  }
0x87: {  	_ =	shalt  }
.Lfunc_end0:
.L_simem_size_0:
called_computation_lowered:
.L_overlay_start_0:
0x88: {  	s2 =	sld [smem:$0x3FD9]  }
0x89: {  	s3 =	sld [smem:$0x3FFE];
	_ =	sdelay $0x1  }
0x8a: {  	s1 =	srdreg.scid  }
0x8b: {  	s0 =	sand.u32 $0x1, s1  }
0x8c: {  	s18 =	sshll.u32 s0, $0xA;
	s2 =	sadd.s32 s3, s2  }
0x8d: {  	s2 =	sadd.s32 s2, s18  }
0x8e: {  	[smem:$0x3FC6] =	sst s2  }
0x8f: {  	_ = 	snop  }
0x90: {  	s2 =	sld [smem:$0x3FC9]  }
0x91: {  	s19 =	sld [smem:$0x3FC8]  }
0x92: {  	s4 =	sld [smem:$0x3FD0];
	(tm) =	ssettm $0x1  }
0x93: {  	s5 =	sld [smem:$0x3FFB];
	_ =	sdelay $0x3  }
0x94: {  	_ =	strace s5  }
0x95: {  	s5 =	sld [smem:$0x3FFC];
	_ =	sdelay $0x3  }
0x96: {  	_ =	strace s5  }
0x97: {  	s5 =	sld [smem:$0x3FFD];
	_ =	sdelay $0x3  }
0x98: {  	_ =	strace s5  }
0x99: {  	_ =	strace $0x8FFFFFFF  }
0x9a: {  	s20 =	sld [smem:$0x3FDB];
	_ =	sdelay $0x1  }
0x9b: {  	s6 =	simm.s32 $_scs_section_size  }
0x9c: {  	s7 =	simm.s32 $_size__tile_overlayer_lowered;
	s8 =	simm.s32 $_tile_overlayer_lowered  }
0x9d: {  	s23 =	simm.s32 $0x1BFF;
	s22 =	sshll.u32 s8, $0x1;
	s5 =	sadd.s32 s6, s20  }
0x9e: {  	s9 =	simm.s32 $0x0;
	s21 =	sshll.u32 s7, $0x1;
	s7 =	sadd.s32 s22, s5  }
0x9f: {  	[timem:s9], [sflag:s23] =	dma.local [hbm:s7], s21  }
0xa0: {  	_ =	swait.ge [sflag:s23], s21  }
0xa1: {  	s6 =	ssub.s32 $0x0, s21;
	[sflag:s23] =	ssyncset.done $0x0  }
0xa2: {  	[sflag:s23] =	ssyncadd.s32 s6;
	_ =	sdelay $0x1  }
0xa3: {  	s24 =	simm.s32 $0x1B8B  }
0xa4: {  	_ =	swait.ge [sflag:s24], $0x1  }
0xa5: {  	[sflag:s24] =	ssyncset.done $0x0  }
0xa6: {  	s25 =	simm.s32 $0x1B8E;
	[sflag:s24] =	ssyncadd.s32 $0xFFFFFFFF  }
0xa7: {  	s26 =	simm.s32 $execute0_lowered;
	[smem:$0x3FD2] =	sst s25  }
0xa8: {  	s6 =	sshll.u32 s26, $0x1;
	_ =	strace $0x80000046;
	[dreg:$0x1] =	wrdreg $0xFFFFFFFF  }
0xa9: {  	s28 =	simm.s32 $_size_execute0_lowered;
	s5 =	sadd.s32 s5, s6;
	[dreg:$0x0] =	wrdreg $0x0  }
0xaa: {  	s6 =	sshll.u32 s28, $0x1;
	[dreg:$0x2] =	wrdreg s5  }
0xab: {  	[dreg:$0x3] =	wrdreg s6  }
0xac: {  	[dreg:$0x4] =	wrdreg $0xC0  }
0xad: {  	_ =	task [dreg:s9], $0x5FFFF  }
0xae: {  	[dreg:$0x1] =	wrdreg $0xFFFFFFFF  }
0xaf: {  	[dreg:$0x0] =	wrdreg $0x60  }
0xb0: {  	[dreg:$0x2] =	wrdreg s2  }
0xb1: {  	[dreg:$0x3] =	wrdreg s19  }
0xb2: {  	[dreg:$0x4] =	wrdreg s4  }
0xb3: {  	[dreg:$0x5] =	wrdreg $0x183000  }
0xb4: {  	[dreg:$0x6] =	wrdreg $0x9  }
0xb5: {  	_ =	task.clear_ibuf [dreg:s9], $0x7FFFF;
	_ =	strace $0x90000046  }
0xb6: {  	s29 =	simm.s32 $0x9;
	_ =	strace $0x80000048  }
0xb7: {  	_ =	swait.ge [sflag:s29], $0x1  }
0xb8: {  	[sflag:s29] =	ssyncadd.s32 $0xFFFFFFFF  }
0xb9: {  	_ =	strace $0x90000048  }
0xba: {  	_ =	sfence  }
0xbb: {  	s30 =	sld [smem:$0x0];
	_ =	sdelay $0x2  }
0xbc: {  	s31 =	sshll.u32 s1, $0xD;
	s1 =	sshrl.u32 s1, $0x2  }
0xbd: {  	s3 =	sand.u32 $0x4000, s31;
	s1 =	sadd.s32 s1, s30  }
0xbe: {  	s0 =	sor.u32 s3, s0;
	s1 =	sshll.u32 s1, $0x11  }
0xbf: {  	s0 =	sor.u32 s1, s0  }
0xc0: {  	s0 =	sadd.s32 $0x8F2B, s0  }
0xc1: {  	[sflag:s0] =	ssyncadd.remote.s32 $0x1  }
0xc2: {  	_ =	sfence.sel $0xFFFF  }
0xc3: {  	[dreg:$0x0] =	wrdreg $0xFFFFFFFF;
	(pc) =	sbr.abs _section_cstart, $3  }
0xc4: {  	[dreg:$0x1] =	wrdreg $0xFFFFFFFF  }
0xc5: {  	_ =	task.clear_ibuf [dreg:s9], $0x2FFFF;
	_ =	strace $0x9FFFFFFF  }
0xc6: {  	(tm) =	ssettm $0x7FFFFFFF  }
0xc7: {  	_ =	shalt  }
tec
execute0_lowered:
.L_overlay_start_1:
0x0: {  	(tag) =	ssettag $0x1  }
0x1: {  	s2 =	rddreg [dreg:$0x0]  }
0x2: {  	s0 =	srdreg.scid;
	s5 =	rddreg [dreg:$0x1]  }
0x3: {  	s9 =	stileid.u32;
	s6 =	rddreg [dreg:$0x2]  }
0x4: {  	s4 =	simm.s32 $0x1;
	s11 =	rddreg [dreg:$0x3];
	s3 =	simm.s32 $0x0  }
0x5: {  	s29 =	simm.s32 $0xC000;
	s30 =	simm.s32 $0x12000;
	s31 =	simm.s32 $0x2  }
0x6: {  	s0 =	sand.u32 $0x1, s0;
	s1 =	sshll.u32 s9, $0x1;
	[smem:$0x7FF] =	sst s3  }
0x7: {  	s21 =	smul.u32 $0x6000, s9;
	s24 =	sadd.s32 $0x6000, s11;
	s25 =	sadd.s32 $0xC000, s11  }
0x8: {  	s26 =	sadd.s32 $0x12000, s11;
	_ =	strace $0x80000047;
	[dreg:$0x8] =	wrdreg s24  }
0x9: {  	s1 =	sor.u32 s0, s1;
	p1 =	seq.s32 s0, $0x1;
	[dreg:$0x9] =	wrdreg s25  }
0xa: {  	s8 =	sshll.u32 s0, $0x4;
	s0 =	ssub.s32 $0x2, s0;
	[dreg:$0xa] =	wrdreg s26  }
0xb: {  	p0 =	seq.s32 s1, $0x0;
	s8 =	sor.u32 s9, s8;
	s22 =	sshrl.u32 s0, $0x1  }
0xc: {  	s1 =	smul.u32 $0x18000, s1;
	s23 =	sshrl.u32 s21, $0x2;
	p0 =	por !p0, !p1  }
0xd: {  	s8 =	smul.u32 $0x300, s8;
	s0 =	ssub.s32 s0, s22;
	p0 =	por !p0, !p0  }
0xe: {  	s1 =	sshrl.u32 s1, $0x3;
	s25 =	smax.u32 s0, $0x1;
	s4 =	simm.s32 @!p0 $0x0  }
0xf: {  	s0 =	simm.s32 $0x6000;
	s2 =	sadd.s32 s2, s8;
	s4 =	ssub.s32 s9, s4  }
0x10: {  	[dreg:$0x6] =	wrdreg s2;
	s2 =	sadd.s32 s23, s11;
	s9 =	sadd.s32 s6, s1  }
0x11: {  	s1 =	simm.s32 $0x3;
	s7 =	sshrl.u32 s4, $0x3;
	s4 =	sshll.u32 s4, $0x7  }
0x12: {  	[dreg:$0x7] =	wrdreg s2;
	s12 =	sadd.s32 $0x60000, s9;
	s13 =	sadd.s32 $0xC0000, s9  }
0x13: {  	s14 =	sadd.s32 $0x120000, s9;
	s15 =	sadd.s32 $0xC00, s9;
	s16 =	sadd.s32 $0x60C00, s9  }
0x14: {  	s17 =	sadd.s32 $0xC0C00, s9;
	s18 =	sadd.s32 $0x120C00, s9;
	s7 =	smul.u32 $0x1800, s7  }
0x15: {  	s19 =	sadd.s32 $0x1800, s9;
	s20 =	sadd.s32 $0x61800, s9;
	s4 =	sand.u32 $0x380, s4  }
0x16: {  	s21 =	sadd.s32 $0xC1800, s9;
	s22 =	sadd.s32 $0x121800, s9;
	s4 =	sor.u32 s4, s7  }
0x17: {  	s23 =	sadd.s32 $0x2400, s9;
	s24 =	sadd.s32 $0x62400, s9;
	s10 =	sshrl.u32 s4, $0x3  }
0x18: {  	s26 =	sadd.s32 $0xC2400, s9;
	s28 =	sadd.s32 $0x122400, s9;
	s5 =	sadd.s32 s5, s10  }
0x19: {  	s2 =	simm.s32 $0x0;
	s4 =	simm.s32 $0x1;
	[dreg:$0x5] =	wrdreg s5  }
.LBB2_1:
0x1a: {  	s5 =	rddreg [dreg:$0x5]  }
0x1b: {  	s6 =	simm.s32 $0x80;
	s7 =	simm.s32 $0x400;
	s8 =	simm.s32 $0x18000  }
0x1c: {  	[tilespmem:s8], [sflag:$0x1] =	stream.strided.gather [hbm4b:s5+s6], $0x300, s7, s6, $0x38;
	[tilespmem:$0x19B00] =	vst v63  }
0x1d: {  	s11 =	rddreg [dreg:$0x6]  }
0x1e: {  	[tilespmem:s3], [sflag:$0x1] =	stream.linear.gather [hbm4b:s11+s3], $0x1800, $0x38;
	[tilespmem:$0x19B00] =	vst v63  }
0x1f: {  	_ =	swait.ge [sflag:s4], $0x1800  }
0x20: {  	[sflag:s4] =	ssyncset.done $0x0  }
0x21: {  	s6 =	rddreg [dreg:$0x7];
	[sflag:s4] =	ssyncadd.s32 $0xFFFFE800  }
0x22: {  	[spmem:s6] =	stream.linear.scatter [tilespmem:s3], [sflag:$0x3], $0x1800, $0x38;
	[tilespmem:$0x19B00] =	vst v63  }
0x23: {  	_ =	swait.ge [sflag:s1], $0x1800  }
0x24: {  	[sflag:s1] =	ssyncset.done $0x0  }
0x25: {  	[sflag:s1] =	ssyncadd.s32 $0xFFFFE800  }
0x26: {  	[bflag:$0x0] =	sbarrier.arrive $0xFFFF  }
0x27: {  	s7 =	rddreg [dreg:$0x3]  }
0x28: {  	[tilespmem:s3], [sflag:$0x1] =	stream.linear.gather [spmem:s7], $0x6000, $0x38;
	[tilespmem:$0x19B00] =	vst v63  }
0x29: {  	s8 =	rddreg [dreg:$0x8]  }
0x2a: {  	[tilespmem:s0], [sflag:$0x1] =	stream.linear.gather [spmem:s8], $0x6000, $0x38;
	[tilespmem:$0x19B00] =	vst v63  }
0x2b: {  	s10 =	rddreg [dreg:$0x9]  }
0x2c: {  	[tilespmem:s29], [sflag:$0x1] =	stream.linear.gather [spmem:s10], $0x6000, $0x38;
	[tilespmem:$0x19B00] =	vst v63  }
0x2d: {  	s11 =	rddreg [dreg:$0xa]  }
0x2e: {  	[tilespmem:s30], [sflag:$0x1] =	stream.linear.gather [spmem:s11], $0x6000, $0x38;
	[tilespmem:$0x19B00] =	vst v63  }
0x2f: {  	_ =	swait.ge [sflag:s4], $0x300  }
0x30: {  	[sflag:s4] =	ssyncset.done $0x0  }
0x31: {  	[sflag:s4] =	ssyncadd.s32 $0xFFFFFD00  }
0x32: {  	_ =	swait.ge [sflag:s4], $0x6000  }
0x33: {  	[sflag:s4] =	ssyncset.done $0x0  }
0x34: {  	s5 =	simm.s32 $0x0;
	s6 =	simm.s32 $0x0;
	[sflag:s4] =	ssyncadd.s32 $0xFFFFA000  }
.LBB2_2:
0x35: {  	s7 =	sshrl.u32 s6, $0x3  }
0x36: {  	s8 =	sand.u32 $0x7, s5;
	s7 =	smul.u32 $0x6000, s7  }
0x37: {  	s8 =	sshll.u32 s8, $0x9  }
0x38: {  	s7 =	sor.u32 s8, s7  }
0x39: {  	s8 =	simm.s32 $0x18040;
	s7 =	sshra.s32 s7, $0x2  }
0x3a: {  	v1 =	vld [tilespmem:s8+$0xFFFFFFC0];
	s7 =	sor.u32 $0x40, s7  }
0x3b: {  	v0 =	vld [tilespmem:s7+$0xFFFFFFC0];
	_ =	sdelay $0x4  }
0x3c: {  	v0 =	vadd.f32 v1, v0;
	_ =	sdelay $0x1  }
0x3d: {  	[tilespmem:s7+$0xFFFFFFC0] =	vst v0;
	v0 =	vld [tilespmem:s7+$0xFFFFFFD0]  }
0x3e: {  	v1 =	vld [tilespmem:s8+$0xFFFFFFD0];
	_ =	sdelay $0x4  }
0x3f: {  	v0 =	vadd.f32 v1, v0;
	_ =	sdelay $0x1  }
0x40: {  	[tilespmem:s7+$0xFFFFFFD0] =	vst v0;
	v0 =	vld [tilespmem:s7+$0xFFFFFFE0]  }
0x41: {  	v1 =	vld [tilespmem:s8+$0xFFFFFFE0];
	_ =	sdelay $0x4  }
0x42: {  	v0 =	vadd.f32 v1, v0;
	_ =	sdelay $0x1  }
0x43: {  	[tilespmem:s7+$0xFFFFFFE0] =	vst v0;
	v0 =	vld [tilespmem:s7+$0xFFFFFFF0]  }
0x44: {  	v1 =	vld [tilespmem:s8+$0xFFFFFFF0];
	_ =	sdelay $0x4  }
0x45: {  	v0 =	vadd.f32 v1, v0;
	_ =	sdelay $0x1  }
0x46: {  	[tilespmem:s7+$0xFFFFFFF0] =	vst v0;
	v0 =	vld [tilespmem:s7+$0x0]  }
0x47: {  	v1 =	vld [tilespmem:s8+$0x0];
	_ =	sdelay $0x4  }
0x48: {  	v0 =	vadd.f32 v1, v0;
	_ =	sdelay $0x1  }
0x49: {  	[tilespmem:s7+$0x0] =	vst v0;
	v0 =	vld [tilespmem:s7+$0x10]  }
0x4a: {  	v1 =	vld [tilespmem:s8+$0x10];
	_ =	sdelay $0x4  }
0x4b: {  	v0 =	vadd.f32 v1, v0;
	_ =	sdelay $0x1  }
0x4c: {  	[tilespmem:s7+$0x10] =	vst v0;
	v0 =	vld [tilespmem:s7+$0x20]  }
0x4d: {  	v1 =	vld [tilespmem:s8+$0x20];
	_ =	sdelay $0x4  }
0x4e: {  	v0 =	vadd.f32 v1, v0;
	_ =	sdelay $0x1  }
0x4f: {  	[tilespmem:s7+$0x20] =	vst v0;
	v0 =	vld [tilespmem:s7+$0x30]  }
0x50: {  	v1 =	vld [tilespmem:s8+$0x30];
	_ =	sdelay $0x4  }
0x51: {  	v0 =	vadd.f32 v1, v0  }
0x52: {  	s10 =	simm.s32 $0x0;
	s11 =	sadd.s32 $0x400, s7  }
.LBB2_3:
0x53: {  	v1 =	vld [tilespmem:s11+$0xFFFFFFC0];
	[tilespmem:s7+$0x30] =	vst v0;
	s8 =	sadd.s32 $0x80, s8;
	s7 =	smov.u32 s11  }
0x54: {  	s10 =	sadd.s32 $0x8, s10;
	v0 =	vld [tilespmem:s8+$0xFFFFFFC0]  }
0x55: {  	p0 =	slt.u32 s10, $0x28;
	_ =	sdelay $0x3  }
0x56: {  	v0 =	vadd.f32 v0, v1;
	_ =	sdelay $0x1  }
0x57: {  	[tilespmem:s11+$0xFFFFFFC0] =	vst v0;
	v0 =	vld [tilespmem:s11+$0xFFFFFFD0]  }
0x58: {  	v1 =	vld [tilespmem:s8+$0xFFFFFFD0];
	_ =	sdelay $0x4  }
0x59: {  	v0 =	vadd.f32 v1, v0;
	_ =	sdelay $0x1  }
0x5a: {  	[tilespmem:s11+$0xFFFFFFD0] =	vst v0;
	v0 =	vld [tilespmem:s11+$0xFFFFFFE0]  }
0x5b: {  	v1 =	vld [tilespmem:s8+$0xFFFFFFE0];
	_ =	sdelay $0x4  }
0x5c: {  	v0 =	vadd.f32 v1, v0;
	_ =	sdelay $0x1  }
0x5d: {  	[tilespmem:s11+$0xFFFFFFE0] =	vst v0;
	v0 =	vld [tilespmem:s11+$0xFFFFFFF0]  }
0x5e: {  	v1 =	vld [tilespmem:s8+$0xFFFFFFF0];
	_ =	sdelay $0x4  }
0x5f: {  	v0 =	vadd.f32 v1, v0;
	_ =	sdelay $0x1  }
0x60: {  	[tilespmem:s11+$0xFFFFFFF0] =	vst v0;
	v0 =	vld [tilespmem:s11+$0x0]  }
0x61: {  	v1 =	vld [tilespmem:s8+$0x0];
	_ =	sdelay $0x4  }
0x62: {  	v0 =	vadd.f32 v1, v0;
	_ =	sdelay $0x1  }
0x63: {  	[tilespmem:s11+$0x0] =	vst v0;
	v0 =	vld [tilespmem:s11+$0x10]  }
0x64: {  	v1 =	vld [tilespmem:s8+$0x10];
	_ =	sdelay $0x4  }
0x65: {  	v0 =	vadd.f32 v1, v0;
	_ =	sdelay $0x1  }
0x66: {  	[tilespmem:s11+$0x10] =	vst v0;
	v0 =	vld [tilespmem:s11+$0x20]  }
0x67: {  	v1 =	vld [tilespmem:s8+$0x20];
	_ =	sdelay $0x4  }
0x68: {  	v0 =	vadd.f32 v1, v0;
	_ =	sdelay $0x1  }
0x69: {  	[tilespmem:s11+$0x20] =	vst v0;
	v0 =	vld [tilespmem:s11+$0x30]  }
0x6a: {  	v1 =	vld [tilespmem:s8+$0x30];
	_ =	sdelay $0x1  }
.Ltmp0:
0x6b: {  	(pc) =	sbr.rel @p0 .LBB2_3-.Ltmp0, $3  }
0x6c: {  	_ =	sdelay $0x1  }
0x6d: {  	v0 =	vadd.f32 v1, v0  }
0x6e: {  	s11 =	sadd.s32 $0x400, s11  }
0x6f: {  	s6 =	sadd.s32 $0x1, s6  }
0x70: {  	p0 =	sne.s32 s6, $0x20  }
.Ltmp1:
0x71: {  	_ = 	snop;
	(pc) =	sbr.rel @p0 .LBB2_2-.Ltmp1, $2  }
0x72: {  	_ =	sdelay $0x2  }
0x73: {  	[tilespmem:s7+$0x30] =	vst v0;
	s5 =	sadd.s32 $0x1, s5  }
0x74: {  	s5 =	simm.s32 $0x0  }
0x75: {  	[hbm4b:s9+s5] =	stream.linear.scatter [tilespmem:s5], [sflag:$0x2], $0x6000, $0x38;
	[tilespmem:$0x19B00] =	vst v63  }
0x76: {  	_ = 	snop  }
0x77: {  	[hbm4b:s12+s5] =	stream.linear.scatter [tilespmem:s5], [sflag:$0x2], $0x6000, $0x38;
	[tilespmem:$0x19B00] =	vst v63  }
0x78: {  	_ = 	snop  }
0x79: {  	[hbm4b:s13+s5] =	stream.linear.scatter [tilespmem:s5], [sflag:$0x2], $0x6000, $0x38;
	[tilespmem:$0x19B00] =	vst v63  }
0x7a: {  	_ = 	snop  }
0x7b: {  	[hbm4b:s14+s5] =	stream.linear.scatter [tilespmem:s5], [sflag:$0x2], $0x6000, $0x38;
	[tilespmem:$0x19B00] =	vst v63  }
0x7c: {  	_ =	swait.ge [sflag:s4], $0x6000  }
0x7d: {  	[sflag:s4] =	ssyncset.done $0x0  }
0x7e: {  	s6 =	simm.s32 $0x20;
	[sflag:s4] =	ssyncadd.s32 $0xFFFFA000  }
.LBB2_6:
0x7f: {  	s7 =	sshrl.u32 s6, $0x3  }
0x80: {  	s8 =	sand.u32 $0x7, s5;
	s7 =	smul.u32 $0x6000, s7  }
0x81: {  	s8 =	sshll.u32 s8, $0x9  }
0x82: {  	s7 =	sor.u32 s8, s7  }
0x83: {  	s8 =	simm.s32 $0x18040;
	s7 =	sshra.s32 s7, $0x2  }
0x84: {  	v1 =	vld [tilespmem:s8+$0xFFFFFFC0];
	s7 =	sor.u32 $0x40, s7  }
0x85: {  	v0 =	vld [tilespmem:s7+$0xFFFFFFC0];
	_ =	sdelay $0x4  }
0x86: {  	v0 =	vadd.f32 v1, v0;
	_ =	sdelay $0x1  }
0x87: {  	[tilespmem:s7+$0xFFFFFFC0] =	vst v0;
	v0 =	vld [tilespmem:s7+$0xFFFFFFD0]  }
0x88: {  	v1 =	vld [tilespmem:s8+$0xFFFFFFD0];
	_ =	sdelay $0x4  }
0x89: {  	v0 =	vadd.f32 v1, v0;
	_ =	sdelay $0x1  }
0x8a: {  	[tilespmem:s7+$0xFFFFFFD0] =	vst v0;
	v0 =	vld [tilespmem:s7+$0xFFFFFFE0]  }
0x8b: {  	v1 =	vld [tilespmem:s8+$0xFFFFFFE0];
	_ =	sdelay $0x4  }
0x8c: {  	v0 =	vadd.f32 v1, v0;
	_ =	sdelay $0x1  }
0x8d: {  	[tilespmem:s7+$0xFFFFFFE0] =	vst v0;
	v0 =	vld [tilespmem:s7+$0xFFFFFFF0]  }
0x8e: {  	v1 =	vld [tilespmem:s8+$0xFFFFFFF0];
	_ =	sdelay $0x4  }
0x8f: {  	v0 =	vadd.f32 v1, v0;
	_ =	sdelay $0x1  }
0x90: {  	[tilespmem:s7+$0xFFFFFFF0] =	vst v0;
	v0 =	vld [tilespmem:s7+$0x0]  }
0x91: {  	v1 =	vld [tilespmem:s8+$0x0];
	_ =	sdelay $0x4  }
0x92: {  	v0 =	vadd.f32 v1, v0;
	_ =	sdelay $0x1  }
0x93: {  	[tilespmem:s7+$0x0] =	vst v0;
	v0 =	vld [tilespmem:s7+$0x10]  }
0x94: {  	v1 =	vld [tilespmem:s8+$0x10];
	_ =	sdelay $0x4  }
0x95: {  	v0 =	vadd.f32 v1, v0;
	_ =	sdelay $0x1  }
0x96: {  	[tilespmem:s7+$0x10] =	vst v0;
	v0 =	vld [tilespmem:s7+$0x20]  }
0x97: {  	v1 =	vld [tilespmem:s8+$0x20];
	_ =	sdelay $0x4  }
0x98: {  	v0 =	vadd.f32 v1, v0;
	_ =	sdelay $0x1  }
0x99: {  	[tilespmem:s7+$0x20] =	vst v0;
	v0 =	vld [tilespmem:s7+$0x30]  }
0x9a: {  	v1 =	vld [tilespmem:s8+$0x30];
	_ =	sdelay $0x4  }
0x9b: {  	v0 =	vadd.f32 v1, v0  }
0x9c: {  	s10 =	simm.s32 $0x0;
	s11 =	sadd.s32 $0x400, s7  }
.LBB2_7:
0x9d: {  	v1 =	vld [tilespmem:s11+$0xFFFFFFC0];
	[tilespmem:s7+$0x30] =	vst v0;
	s8 =	sadd.s32 $0x80, s8;
	s7 =	smov.u32 s11  }
0x9e: {  	s10 =	sadd.s32 $0x8, s10;
	v0 =	vld [tilespmem:s8+$0xFFFFFFC0]  }
0x9f: {  	p0 =	slt.u32 s10, $0x28;
	_ =	sdelay $0x3  }
0xa0: {  	v0 =	vadd.f32 v0, v1;
	_ =	sdelay $0x1  }
0xa1: {  	[tilespmem:s11+$0xFFFFFFC0] =	vst v0;
	v0 =	vld [tilespmem:s11+$0xFFFFFFD0]  }
0xa2: {  	v1 =	vld [tilespmem:s8+$0xFFFFFFD0];
	_ =	sdelay $0x4  }
0xa3: {  	v0 =	vadd.f32 v1, v0;
	_ =	sdelay $0x1  }
0xa4: {  	[tilespmem:s11+$0xFFFFFFD0] =	vst v0;
	v0 =	vld [tilespmem:s11+$0xFFFFFFE0]  }
0xa5: {  	v1 =	vld [tilespmem:s8+$0xFFFFFFE0];
	_ =	sdelay $0x4  }
0xa6: {  	v0 =	vadd.f32 v1, v0;
	_ =	sdelay $0x1  }
0xa7: {  	[tilespmem:s11+$0xFFFFFFE0] =	vst v0;
	v0 =	vld [tilespmem:s11+$0xFFFFFFF0]  }
0xa8: {  	v1 =	vld [tilespmem:s8+$0xFFFFFFF0];
	_ =	sdelay $0x4  }
0xa9: {  	v0 =	vadd.f32 v1, v0;
	_ =	sdelay $0x1  }
0xaa: {  	[tilespmem:s11+$0xFFFFFFF0] =	vst v0;
	v0 =	vld [tilespmem:s11+$0x0]  }
0xab: {  	v1 =	vld [tilespmem:s8+$0x0];
	_ =	sdelay $0x4  }
0xac: {  	v0 =	vadd.f32 v1, v0;
	_ =	sdelay $0x1  }
0xad: {  	[tilespmem:s11+$0x0] =	vst v0;
	v0 =	vld [tilespmem:s11+$0x10]  }
0xae: {  	v1 =	vld [tilespmem:s8+$0x10];
	_ =	sdelay $0x4  }
0xaf: {  	v0 =	vadd.f32 v1, v0;
	_ =	sdelay $0x1  }
0xb0: {  	[tilespmem:s11+$0x10] =	vst v0;
	v0 =	vld [tilespmem:s11+$0x20]  }
0xb1: {  	v1 =	vld [tilespmem:s8+$0x20];
	_ =	sdelay $0x4  }
0xb2: {  	v0 =	vadd.f32 v1, v0;
	_ =	sdelay $0x1  }
0xb3: {  	[tilespmem:s11+$0x20] =	vst v0;
	v0 =	vld [tilespmem:s11+$0x30]  }
0xb4: {  	v1 =	vld [tilespmem:s8+$0x30];
	_ =	sdelay $0x1  }
.Ltmp2:
0xb5: {  	(pc) =	sbr.rel @p0 .LBB2_7-.Ltmp2, $3  }
0xb6: {  	_ =	sdelay $0x1  }
0xb7: {  	v0 =	vadd.f32 v1, v0  }
0xb8: {  	s11 =	sadd.s32 $0x400, s11  }
0xb9: {  	s6 =	sadd.s32 $0x1, s6  }
0xba: {  	p0 =	sne.s32 s6, $0x40  }
.Ltmp3:
0xbb: {  	_ = 	snop;
	(pc) =	sbr.rel @p0 .LBB2_6-.Ltmp3, $2  }
0xbc: {  	_ =	sdelay $0x2  }
0xbd: {  	[tilespmem:s7+$0x30] =	vst v0;
	s5 =	sadd.s32 $0x1, s5  }
0xbe: {  	s5 =	simm.s32 $0x0  }
0xbf: {  	[hbm4b:s15+s5] =	stream.linear.scatter [tilespmem:s0], [sflag:$0x2], $0x6000, $0x38;
	[tilespmem:$0x19B00] =	vst v63  }
0xc0: {  	_ = 	snop  }
0xc1: {  	[hbm4b:s16+s5] =	stream.linear.scatter [tilespmem:s0], [sflag:$0x2], $0x6000, $0x38;
	[tilespmem:$0x19B00] =	vst v63  }
0xc2: {  	_ = 	snop  }
0xc3: {  	[hbm4b:s17+s5] =	stream.linear.scatter [tilespmem:s0], [sflag:$0x2], $0x6000, $0x38;
	[tilespmem:$0x19B00] =	vst v63  }
0xc4: {  	_ = 	snop  }
0xc5: {  	[hbm4b:s18+s5] =	stream.linear.scatter [tilespmem:s0], [sflag:$0x2], $0x6000, $0x38;
	[tilespmem:$0x19B00] =	vst v63  }
0xc6: {  	_ =	swait.ge [sflag:s4], $0x6000  }
0xc7: {  	[sflag:s4] =	ssyncset.done $0x0  }
0xc8: {  	s6 =	simm.s32 $0x40;
	[sflag:s4] =	ssyncadd.s32 $0xFFFFA000  }
.LBB2_10:
0xc9: {  	s7 =	sshrl.u32 s6, $0x3  }
0xca: {  	s8 =	sand.u32 $0x7, s5;
	s7 =	smul.u32 $0x6000, s7  }
0xcb: {  	s8 =	sshll.u32 s8, $0x9  }
0xcc: {  	s7 =	sor.u32 s8, s7  }
0xcd: {  	s8 =	simm.s32 $0x18040;
	s7 =	sshra.s32 s7, $0x2  }
0xce: {  	v1 =	vld [tilespmem:s8+$0xFFFFFFC0];
	s7 =	sor.u32 $0x40, s7  }
0xcf: {  	v0 =	vld [tilespmem:s7+$0xFFFFFFC0];
	_ =	sdelay $0x4  }
0xd0: {  	v0 =	vadd.f32 v1, v0;
	_ =	sdelay $0x1  }
0xd1: {  	[tilespmem:s7+$0xFFFFFFC0] =	vst v0;
	v0 =	vld [tilespmem:s7+$0xFFFFFFD0]  }
0xd2: {  	v1 =	vld [tilespmem:s8+$0xFFFFFFD0];
	_ =	sdelay $0x4  }
0xd3: {  	v0 =	vadd.f32 v1, v0;
	_ =	sdelay $0x1  }
0xd4: {  	[tilespmem:s7+$0xFFFFFFD0] =	vst v0;
	v0 =	vld [tilespmem:s7+$0xFFFFFFE0]  }
0xd5: {  	v1 =	vld [tilespmem:s8+$0xFFFFFFE0];
	_ =	sdelay $0x4  }
0xd6: {  	v0 =	vadd.f32 v1, v0;
	_ =	sdelay $0x1  }
0xd7: {  	[tilespmem:s7+$0xFFFFFFE0] =	vst v0;
	v0 =	vld [tilespmem:s7+$0xFFFFFFF0]  }
0xd8: {  	v1 =	vld [tilespmem:s8+$0xFFFFFFF0];
	_ =	sdelay $0x4  }
0xd9: {  	v0 =	vadd.f32 v1, v0;
	_ =	sdelay $0x1  }
0xda: {  	[tilespmem:s7+$0xFFFFFFF0] =	vst v0;
	v0 =	vld [tilespmem:s7+$0x0]  }
0xdb: {  	v1 =	vld [tilespmem:s8+$0x0];
	_ =	sdelay $0x4  }
0xdc: {  	v0 =	vadd.f32 v1, v0;
	_ =	sdelay $0x1  }
0xdd: {  	[tilespmem:s7+$0x0] =	vst v0;
	v0 =	vld [tilespmem:s7+$0x10]  }
0xde: {  	v1 =	vld [tilespmem:s8+$0x10];
	_ =	sdelay $0x4  }
0xdf: {  	v0 =	vadd.f32 v1, v0;
	_ =	sdelay $0x1  }
0xe0: {  	[tilespmem:s7+$0x10] =	vst v0;
	v0 =	vld [tilespmem:s7+$0x20]  }
0xe1: {  	v1 =	vld [tilespmem:s8+$0x20];
	_ =	sdelay $0x4  }
0xe2: {  	v0 =	vadd.f32 v1, v0;
	_ =	sdelay $0x1  }
0xe3: {  	[tilespmem:s7+$0x20] =	vst v0;
	v0 =	vld [tilespmem:s7+$0x30]  }
0xe4: {  	v1 =	vld [tilespmem:s8+$0x30];
	_ =	sdelay $0x4  }
0xe5: {  	v0 =	vadd.f32 v1, v0  }
0xe6: {  	s10 =	simm.s32 $0x0;
	s11 =	sadd.s32 $0x400, s7  }
.LBB2_11:
0xe7: {  	v1 =	vld [tilespmem:s11+$0xFFFFFFC0];
	[tilespmem:s7+$0x30] =	vst v0;
	s8 =	sadd.s32 $0x80, s8;
	s7 =	smov.u32 s11  }
0xe8: {  	s10 =	sadd.s32 $0x8, s10;
	v0 =	vld [tilespmem:s8+$0xFFFFFFC0]  }
0xe9: {  	p0 =	slt.u32 s10, $0x28;
	_ =	sdelay $0x3  }
0xea: {  	v0 =	vadd.f32 v0, v1;
	_ =	sdelay $0x1  }
0xeb: {  	[tilespmem:s11+$0xFFFFFFC0] =	vst v0;
	v0 =	vld [tilespmem:s11+$0xFFFFFFD0]  }
0xec: {  	v1 =	vld [tilespmem:s8+$0xFFFFFFD0];
	_ =	sdelay $0x4  }
0xed: {  	v0 =	vadd.f32 v1, v0;
	_ =	sdelay $0x1  }
0xee: {  	[tilespmem:s11+$0xFFFFFFD0] =	vst v0;
	v0 =	vld [tilespmem:s11+$0xFFFFFFE0]  }
0xef: {  	v1 =	vld [tilespmem:s8+$0xFFFFFFE0];
	_ =	sdelay $0x4  }
0xf0: {  	v0 =	vadd.f32 v1, v0;
	_ =	sdelay $0x1  }
0xf1: {  	[tilespmem:s11+$0xFFFFFFE0] =	vst v0;
	v0 =	vld [tilespmem:s11+$0xFFFFFFF0]  }
0xf2: {  	v1 =	vld [tilespmem:s8+$0xFFFFFFF0];
	_ =	sdelay $0x4  }
0xf3: {  	v0 =	vadd.f32 v1, v0;
	_ =	sdelay $0x1  }
0xf4: {  	[tilespmem:s11+$0xFFFFFFF0] =	vst v0;
	v0 =	vld [tilespmem:s11+$0x0]  }
0xf5: {  	v1 =	vld [tilespmem:s8+$0x0];
	_ =	sdelay $0x4  }
0xf6: {  	v0 =	vadd.f32 v1, v0;
	_ =	sdelay $0x1  }
0xf7: {  	[tilespmem:s11+$0x0] =	vst v0;
	v0 =	vld [tilespmem:s11+$0x10]  }
0xf8: {  	v1 =	vld [tilespmem:s8+$0x10];
	_ =	sdelay $0x4  }
0xf9: {  	v0 =	vadd.f32 v1, v0;
	_ =	sdelay $0x1  }
0xfa: {  	[tilespmem:s11+$0x10] =	vst v0;
	v0 =	vld [tilespmem:s11+$0x20]  }
0xfb: {  	v1 =	vld [tilespmem:s8+$0x20];
	_ =	sdelay $0x4  }
0xfc: {  	v0 =	vadd.f32 v1, v0;
	_ =	sdelay $0x1  }
0xfd: {  	[tilespmem:s11+$0x20] =	vst v0;
	v0 =	vld [tilespmem:s11+$0x30]  }
0xfe: {  	v1 =	vld [tilespmem:s8+$0x30];
	_ =	sdelay $0x1  }
.Ltmp4:
0xff: {  	(pc) =	sbr.rel @p0 .LBB2_11-.Ltmp4, $3  }
0x100: {  	_ =	sdelay $0x1  }
0x101: {  	v0 =	vadd.f32 v1, v0  }
0x102: {  	s11 =	sadd.s32 $0x400, s11  }
0x103: {  	s6 =	sadd.s32 $0x1, s6  }
0x104: {  	p0 =	sne.s32 s6, $0x60  }
.Ltmp5:
0x105: {  	_ = 	snop;
	(pc) =	sbr.rel @p0 .LBB2_10-.Ltmp5, $2  }
0x106: {  	_ =	sdelay $0x2  }
0x107: {  	[tilespmem:s7+$0x30] =	vst v0;
	s5 =	sadd.s32 $0x1, s5  }
0x108: {  	s5 =	simm.s32 $0x0  }
0x109: {  	[hbm4b:s19+s5] =	stream.linear.scatter [tilespmem:s29], [sflag:$0x2], $0x6000, $0x38;
	[tilespmem:$0x19B00] =	vst v63  }
0x10a: {  	_ = 	snop  }
0x10b: {  	[hbm4b:s20+s5] =	stream.linear.scatter [tilespmem:s29], [sflag:$0x2], $0x6000, $0x38;
	[tilespmem:$0x19B00] =	vst v63  }
0x10c: {  	_ = 	snop  }
0x10d: {  	[hbm4b:s21+s5] =	stream.linear.scatter [tilespmem:s29], [sflag:$0x2], $0x6000, $0x38;
	[tilespmem:$0x19B00] =	vst v63  }
0x10e: {  	_ = 	snop  }
0x10f: {  	[hbm4b:s22+s5] =	stream.linear.scatter [tilespmem:s29], [sflag:$0x2], $0x6000, $0x38;
	[tilespmem:$0x19B00] =	vst v63  }
0x110: {  	_ =	swait.ge [sflag:s4], $0x6000  }
0x111: {  	[sflag:s4] =	ssyncset.done $0x0  }
0x112: {  	s6 =	simm.s32 $0x60;
	[sflag:s4] =	ssyncadd.s32 $0xFFFFA000  }
.LBB2_14:
0x113: {  	s7 =	sshrl.u32 s6, $0x3  }
0x114: {  	s8 =	sand.u32 $0x7, s5;
	s7 =	smul.u32 $0x6000, s7  }
0x115: {  	s8 =	sshll.u32 s8, $0x9  }
0x116: {  	s7 =	sor.u32 s8, s7  }
0x117: {  	s8 =	simm.s32 $0x18040;
	s7 =	sshra.s32 s7, $0x2  }
0x118: {  	v1 =	vld [tilespmem:s8+$0xFFFFFFC0];
	s7 =	sor.u32 $0x40, s7  }
0x119: {  	v0 =	vld [tilespmem:s7+$0xFFFFFFC0];
	_ =	sdelay $0x4  }
0x11a: {  	v0 =	vadd.f32 v1, v0;
	_ =	sdelay $0x1  }
0x11b: {  	[tilespmem:s7+$0xFFFFFFC0] =	vst v0;
	v0 =	vld [tilespmem:s7+$0xFFFFFFD0]  }
0x11c: {  	v1 =	vld [tilespmem:s8+$0xFFFFFFD0];
	_ =	sdelay $0x4  }
0x11d: {  	v0 =	vadd.f32 v1, v0;
	_ =	sdelay $0x1  }
0x11e: {  	[tilespmem:s7+$0xFFFFFFD0] =	vst v0;
	v0 =	vld [tilespmem:s7+$0xFFFFFFE0]  }
0x11f: {  	v1 =	vld [tilespmem:s8+$0xFFFFFFE0];
	_ =	sdelay $0x4  }
0x120: {  	v0 =	vadd.f32 v1, v0;
	_ =	sdelay $0x1  }
0x121: {  	[tilespmem:s7+$0xFFFFFFE0] =	vst v0;
	v0 =	vld [tilespmem:s7+$0xFFFFFFF0]  }
0x122: {  	v1 =	vld [tilespmem:s8+$0xFFFFFFF0];
	_ =	sdelay $0x4  }
0x123: {  	v0 =	vadd.f32 v1, v0;
	_ =	sdelay $0x1  }
0x124: {  	[tilespmem:s7+$0xFFFFFFF0] =	vst v0;
	v0 =	vld [tilespmem:s7+$0x0]  }
0x125: {  	v1 =	vld [tilespmem:s8+$0x0];
	_ =	sdelay $0x4  }
0x126: {  	v0 =	vadd.f32 v1, v0;
	_ =	sdelay $0x1  }
0x127: {  	[tilespmem:s7+$0x0] =	vst v0;
	v0 =	vld [tilespmem:s7+$0x10]  }
0x128: {  	v1 =	vld [tilespmem:s8+$0x10];
	_ =	sdelay $0x4  }
0x129: {  	v0 =	vadd.f32 v1, v0;
	_ =	sdelay $0x1  }
0x12a: {  	[tilespmem:s7+$0x10] =	vst v0;
	v0 =	vld [tilespmem:s7+$0x20]  }
0x12b: {  	v1 =	vld [tilespmem:s8+$0x20];
	_ =	sdelay $0x4  }
0x12c: {  	v0 =	vadd.f32 v1, v0;
	_ =	sdelay $0x1  }
0x12d: {  	[tilespmem:s7+$0x20] =	vst v0;
	v0 =	vld [tilespmem:s7+$0x30]  }
0x12e: {  	v1 =	vld [tilespmem:s8+$0x30];
	_ =	sdelay $0x4  }
0x12f: {  	v0 =	vadd.f32 v1, v0  }
0x130: {  	s10 =	simm.s32 $0x0;
	s11 =	sadd.s32 $0x400, s7  }
.LBB2_15:
0x131: {  	v1 =	vld [tilespmem:s11+$0xFFFFFFC0];
	[tilespmem:s7+$0x30] =	vst v0;
	s8 =	sadd.s32 $0x80, s8;
	s7 =	smov.u32 s11  }
0x132: {  	s10 =	sadd.s32 $0x8, s10;
	v0 =	vld [tilespmem:s8+$0xFFFFFFC0]  }
0x133: {  	p0 =	slt.u32 s10, $0x28;
	_ =	sdelay $0x3  }
0x134: {  	v0 =	vadd.f32 v0, v1;
	_ =	sdelay $0x1  }
0x135: {  	[tilespmem:s11+$0xFFFFFFC0] =	vst v0;
	v0 =	vld [tilespmem:s11+$0xFFFFFFD0]  }
0x136: {  	v1 =	vld [tilespmem:s8+$0xFFFFFFD0];
	_ =	sdelay $0x4  }
0x137: {  	v0 =	vadd.f32 v1, v0;
	_ =	sdelay $0x1  }
0x138: {  	[tilespmem:s11+$0xFFFFFFD0] =	vst v0;
	v0 =	vld [tilespmem:s11+$0xFFFFFFE0]  }
0x139: {  	v1 =	vld [tilespmem:s8+$0xFFFFFFE0];
	_ =	sdelay $0x4  }
0x13a: {  	v0 =	vadd.f32 v1, v0;
	_ =	sdelay $0x1  }
0x13b: {  	[tilespmem:s11+$0xFFFFFFE0] =	vst v0;
	v0 =	vld [tilespmem:s11+$0xFFFFFFF0]  }
0x13c: {  	v1 =	vld [tilespmem:s8+$0xFFFFFFF0];
	_ =	sdelay $0x4  }
0x13d: {  	v0 =	vadd.f32 v1, v0;
	_ =	sdelay $0x1  }
0x13e: {  	[tilespmem:s11+$0xFFFFFFF0] =	vst v0;
	v0 =	vld [tilespmem:s11+$0x0]  }
0x13f: {  	v1 =	vld [tilespmem:s8+$0x0];
	_ =	sdelay $0x4  }
0x140: {  	v0 =	vadd.f32 v1, v0;
	_ =	sdelay $0x1  }
0x141: {  	[tilespmem:s11+$0x0] =	vst v0;
	v0 =	vld [tilespmem:s11+$0x10]  }
0x142: {  	v1 =	vld [tilespmem:s8+$0x10];
	_ =	sdelay $0x4  }
0x143: {  	v0 =	vadd.f32 v1, v0;
	_ =	sdelay $0x1  }
0x144: {  	[tilespmem:s11+$0x10] =	vst v0;
	v0 =	vld [tilespmem:s11+$0x20]  }
0x145: {  	v1 =	vld [tilespmem:s8+$0x20];
	_ =	sdelay $0x4  }
0x146: {  	v0 =	vadd.f32 v1, v0;
	_ =	sdelay $0x1  }
0x147: {  	[tilespmem:s11+$0x20] =	vst v0;
	v0 =	vld [tilespmem:s11+$0x30]  }
0x148: {  	v1 =	vld [tilespmem:s8+$0x30];
	_ =	sdelay $0x1  }
.Ltmp6:
0x149: {  	(pc) =	sbr.rel @p0 .LBB2_15-.Ltmp6, $3  }
0x14a: {  	_ =	sdelay $0x1  }
0x14b: {  	v0 =	vadd.f32 v1, v0  }
0x14c: {  	s11 =	sadd.s32 $0x400, s11  }
0x14d: {  	s6 =	sadd.s32 $0x1, s6  }
0x14e: {  	p0 =	sne.s32 s6, $0x80  }
.Ltmp7:
0x14f: {  	_ = 	snop;
	(pc) =	sbr.rel @p0 .LBB2_14-.Ltmp7, $2  }
0x150: {  	_ =	sdelay $0x2  }
0x151: {  	[tilespmem:s7+$0x30] =	vst v0;
	s5 =	sadd.s32 $0x1, s5  }
0x152: {  	[hbm4b:s23+s3] =	stream.linear.scatter [tilespmem:s30], [sflag:$0x2], $0x6000, $0x38;
	[tilespmem:$0x19B00] =	vst v63  }
0x153: {  	_ = 	snop  }
0x154: {  	[hbm4b:s24+s3] =	stream.linear.scatter [tilespmem:s30], [sflag:$0x2], $0x6000, $0x38;
	[tilespmem:$0x19B00] =	vst v63  }
0x155: {  	_ = 	snop  }
0x156: {  	[hbm4b:s26+s3] =	stream.linear.scatter [tilespmem:s30], [sflag:$0x2], $0x6000, $0x38;
	[tilespmem:$0x19B00] =	vst v63  }
0x157: {  	_ = 	snop  }
0x158: {  	[hbm4b:s28+s3] =	stream.linear.scatter [tilespmem:s30], [sflag:$0x2], $0x6000, $0x38;
	[tilespmem:$0x19B00] =	vst v63  }
0x159: {  	_ =	swait.ge [sflag:s31], $0x6000  }
0x15a: {  	[sflag:s31] =	ssyncset.done $0x0  }
0x15b: {  	[sflag:s31] =	ssyncadd.s32 $0xFFFFA000  }
0x15c: {  	_ =	swait.ge [sflag:s31], $0x6000  }
0x15d: {  	[sflag:s31] =	ssyncset.done $0x0  }
0x15e: {  	[sflag:s31] =	ssyncadd.s32 $0xFFFFA000  }
0x15f: {  	_ =	swait.ge [sflag:s31], $0x6000  }
0x160: {  	[sflag:s31] =	ssyncset.done $0x0  }
0x161: {  	[sflag:s31] =	ssyncadd.s32 $0xFFFFA000  }
0x162: {  	_ =	swait.ge [sflag:s31], $0x6000  }
0x163: {  	[sflag:s31] =	ssyncset.done $0x0  }
0x164: {  	[sflag:s31] =	ssyncadd.s32 $0xFFFFA000  }
0x165: {  	_ =	swait.ge [sflag:s31], $0x6000  }
0x166: {  	[sflag:s31] =	ssyncset.done $0x0  }
0x167: {  	[sflag:s31] =	ssyncadd.s32 $0xFFFFA000  }
0x168: {  	_ =	swait.ge [sflag:s31], $0x6000  }
0x169: {  	[sflag:s31] =	ssyncset.done $0x0  }
0x16a: {  	[sflag:s31] =	ssyncadd.s32 $0xFFFFA000  }
0x16b: {  	_ =	swait.ge [sflag:s31], $0x6000  }
0x16c: {  	[sflag:s31] =	ssyncset.done $0x0  }
0x16d: {  	[sflag:s31] =	ssyncadd.s32 $0xFFFFA000  }
0x16e: {  	_ =	swait.ge [sflag:s31], $0x6000  }
0x16f: {  	[sflag:s31] =	ssyncset.done $0x0  }
0x170: {  	[sflag:s31] =	ssyncadd.s32 $0xFFFFA000  }
0x171: {  	_ =	swait.ge [sflag:s31], $0x6000  }
0x172: {  	[sflag:s31] =	ssyncset.done $0x0  }
0x173: {  	[sflag:s31] =	ssyncadd.s32 $0xFFFFA000  }
0x174: {  	_ =	swait.ge [sflag:s31], $0x6000  }
0x175: {  	[sflag:s31] =	ssyncset.done $0x0  }
0x176: {  	[sflag:s31] =	ssyncadd.s32 $0xFFFFA000  }
0x177: {  	_ =	swait.ge [sflag:s31], $0x6000  }
0x178: {  	[sflag:s31] =	ssyncset.done $0x0  }
0x179: {  	[sflag:s31] =	ssyncadd.s32 $0xFFFFA000  }
0x17a: {  	_ =	swait.ge [sflag:s31], $0x6000  }
0x17b: {  	[sflag:s31] =	ssyncset.done $0x0  }
0x17c: {  	[sflag:s31] =	ssyncadd.s32 $0xFFFFA000  }
0x17d: {  	_ =	swait.ge [sflag:s31], $0x6000  }
0x17e: {  	[sflag:s31] =	ssyncset.done $0x0  }
0x17f: {  	[sflag:s31] =	ssyncadd.s32 $0xFFFFA000  }
0x180: {  	_ =	swait.ge [sflag:s31], $0x6000  }
0x181: {  	[sflag:s31] =	ssyncset.done $0x0  }
0x182: {  	s2 =	sadd.s32 $0x1, s2;
	[sflag:s31] =	ssyncadd.s32 $0xFFFFA000  }
0x183: {  	p0 =	sne.s32 s2, s25;
	_ =	swait.ge [sflag:s31], $0x6000  }
.Ltmp8:
0x184: {  	[sflag:s31] =	ssyncset.done $0x0;
	(pc) =	sbr.rel @p0 .LBB2_1-.Ltmp8, $4  }
0x185: {  	[sflag:s31] =	ssyncadd.s32 $0xFFFFA000  }
0x186: {  	_ =	swait.ge [sflag:s31], $0x6000  }
0x187: {  	[sflag:s31] =	ssyncset.done $0x0  }
0x188: {  	[sflag:s31] =	ssyncadd.s32 $0xFFFFA000  }
0x189: {  	_ =	sfence.sel $0x180000  }
0x18a: {  	[bflag:$0x0] =	sbarrier.arrive $0xFFFF  }
0x18b: {  	_ =	strace $0x90000047  }
0x18c: {  	s0 =	stileid.u32;
	[bflag:$0x2] =	sbarrier.arrive $0xFFFF  }
0x18d: {  	p0 =	sne.s32 s0, $0x0;
	s0 =	rddreg [dreg:$0x4]  }
0x18e: {  	s0 =	sadd.s32 @!p0 $0x100000, s0  }
0x18f: {  	[sflag:s0] =	ssyncadd.tile.s32 @!p0 $0x1;
	_ =	shalt  }
.Lfunc_end2:
_tile_overlayer_lowered:
.L_overlay_start_2:
0x190: {  	(tag) =	ssettag $0x2  }
0x191: {  	s0 =	rddreg [dreg:$0x0];
	s2 =	stileid.u32  }
0x192: {  	s1 =	rddreg [dreg:$0x1];
	p0 =	sne.s32 s2, $0x0  }
0x193: {  	s3 =	rddreg [dreg:$0x2];
	[bflag:$0x3] =	sbarrier.arrive $0xFFFF;
	s2 =	simm.s32 @!p0 $0x1C03  }
0x194: {  	[timem:s3], [sflag:s2] =	dma.local @!p0 [hbm:s0], s1  }
0x195: {  	s0 =	simm.s32 @!p0 $0x3  }
0x196: {  	_ =	swait.ge @!p0 [sflag:s0], s1  }
0x197: {  	s1 =	ssub.s32 @!p0 $0x0, s1;
	[sflag:s0] =	ssyncset.done @!p0 $0x0  }
0x198: {  	[sflag:s0] =	ssyncadd.s32 @!p0 s1  }
0x199: {  	[bflag:$0x3] =	sbarrier.arrive $0xFFFF  }
0x19a: {  	_ =	shalt  }

</sc_bundles>
